<compile_context>
chip_gen: v7x
topology: tpu7x:2x2x1
jax: 0.10.2.dev20260603
libtpu: 0.0.44.dev20260713+nightly
codegen_flags: <defaults>
</compile_context>

<pallas_src>
import functools

import jax
import jax.numpy as jnp
from jax import lax
from jax.experimental import pallas as pl
from jax.experimental.pallas import tpu as pltpu
from jax.experimental.pallas import tpu_sc as plsc

E = 64
K = 2
D = 768
F = 768
C = 160
B = 2
T = 2048
N = B * T
NB = 8
TB = N // NB
EC = E * C
PAD = 1024
NW = 32

_HI = jax.lax.Precision.HIGHEST


def _router_body(x_ref, wg_ref, ltri_ref, ecol_ref, cap_ref, pad_ref,
                 toff_ref, logits_ref, idx_ref, dst0_ref, dst1_ref,
                 wg0_ref, wg1_ref, tok_ref, lb_ref,
                 carry_ref, psum_ref, src_ref):
    pid = pl.program_id(0)

    @pl.when(pid == 0)
    def _init():
        carry_ref[...] = jnp.zeros((1, E), jnp.float32)
        psum_ref[...] = jnp.zeros((1, E), jnp.float32)
        src_ref[...] = jnp.zeros((E, C), jnp.float32)

    x = x_ref[...]
    logits = lax.dot_general(x, wg_ref[...], (((1,), (0,)), ((), ())),
                             preferred_element_type=jnp.float32)
    logits_ref[...] = logits

    m = jnp.max(logits, axis=1, keepdims=True)
    p = jnp.exp(logits - m)
    probs = p / jnp.sum(p, axis=1, keepdims=True)
    psum_ref[...] += jnp.sum(probs, axis=0, keepdims=True)

    i1 = jnp.argmax(logits, axis=1).astype(jnp.int32)
    ecol = ecol_ref[...]
    oh1m = ecol == i1[:, None]
    masked = jnp.where(oh1m, -jnp.inf, logits)
    i2 = jnp.argmax(masked, axis=1).astype(jnp.int32)
    v1 = jnp.max(logits, axis=1)
    v2 = jnp.max(masked, axis=1)
    idx_ref[...] = jnp.concatenate([i1[:, None], i2[:, None]], axis=1)

    t = jnp.exp(v2 - v1)
    g1 = 1.0 / (1.0 + t)
    g2 = t / (1.0 + t)

    oh0 = oh1m.astype(jnp.float32)
    oh1 = (ecol == i2[:, None]).astype(jnp.float32)
    oht = oh0 + oh1

    cume = lax.dot_general(ltri_ref[...], oht, (((1,), (0,)), ((), ())),
                           preferred_element_type=jnp.float32)
    base = carry_ref[...] + cume
    pos0 = jnp.sum(base * oh0, axis=1)
    pos1 = jnp.sum(base * oh1, axis=1)
    carry_ref[...] += jnp.sum(oht, axis=0, keepdims=True)

    keep0 = pos0 < C
    keep1 = pos1 < C
    sp0 = jnp.where(keep0, pos0, 0.0)
    sp1 = jnp.where(keep1, pos1, 0.0)
    dst0_ref[...] = (i1 * C + sp0.astype(jnp.int32))[:, None]
    dst1_ref[...] = (i2 * C + sp1.astype(jnp.int32))[:, None]
    wg0_ref[...] = jnp.where(keep0, g1, 0.0)[:, None]
    wg1_ref[...] = jnp.where(keep1, g2, 0.0)[:, None]

    cap = cap_ref[...]
    pm0 = (pos0[:, None] == cap).astype(jnp.float32)
    pm1 = (pos1[:, None] == cap).astype(jnp.float32)
    tokv = (pid * TB + 1).astype(jnp.float32) + toff_ref[...]
    src_ref[...] += lax.dot_general(oh0, pm0 * tokv, (((0,), (0,)), ((), ())),
                                    precision=_HI,
                                    preferred_element_type=jnp.float32)
    src_ref[...] += lax.dot_general(oh1, pm1 * tokv, (((0,), (0,)), ((), ())),
                                    precision=_HI,
                                    preferred_element_type=jnp.float32)

    sv = src_ref[...]
    tok_ref[...] = jnp.where(sv > 0.5, sv.astype(jnp.int32) - 1, pad_ref[...])

    counts = carry_ref[...]
    lb = jnp.sum(counts * psum_ref[...]) * (E / (float(N * K) * float(N)))
    lb_ref[...] = lb.reshape(1, 1)


def _router(x, wg):
    ltri = jnp.tril(jnp.ones((TB, TB), jnp.float32), -1)
    ecol = jnp.broadcast_to(jnp.arange(E, dtype=jnp.int32)[None, :], (TB, E))
    cap = jnp.broadcast_to(jnp.arange(C, dtype=jnp.float32)[None, :], (TB, C))
    flat_ec = jnp.arange(EC, dtype=jnp.int32).reshape(E, C)
    pad = N + jnp.bitwise_and(flat_ec, PAD - 1)
    toff = jnp.arange(TB, dtype=jnp.float32)[:, None]
    return pl.pallas_call(
        _router_body,
        grid=(NB,),
        in_specs=[
            pl.BlockSpec((TB, D), lambda i: (i, 0)),
            pl.BlockSpec((D, E), lambda i: (0, 0)),
            pl.BlockSpec((TB, TB), lambda i: (0, 0)),
            pl.BlockSpec((TB, E), lambda i: (0, 0)),
            pl.BlockSpec((TB, C), lambda i: (0, 0)),
            pl.BlockSpec((E, C), lambda i: (0, 0)),
            pl.BlockSpec((TB, 1), lambda i: (0, 0)),
        ],
        out_specs=[
            pl.BlockSpec((TB, E), lambda i: (i, 0)),
            pl.BlockSpec((TB, K), lambda i: (i, 0)),
            pl.BlockSpec((TB, 1), lambda i: (i, 0)),
            pl.BlockSpec((TB, 1), lambda i: (i, 0)),
            pl.BlockSpec((TB, 1), lambda i: (i, 0)),
            pl.BlockSpec((TB, 1), lambda i: (i, 0)),
            pl.BlockSpec((E, C), lambda i: (0, 0)),
            pl.BlockSpec((1, 1), lambda i: (0, 0)),
        ],
        out_shape=[
            jax.ShapeDtypeStruct((N, E), jnp.float32),
            jax.ShapeDtypeStruct((N, K), jnp.int32),
            jax.ShapeDtypeStruct((N, 1), jnp.int32),
            jax.ShapeDtypeStruct((N, 1), jnp.int32),
            jax.ShapeDtypeStruct((N, 1), jnp.float32),
            jax.ShapeDtypeStruct((N, 1), jnp.float32),
            jax.ShapeDtypeStruct((E, C), jnp.int32),
            jax.ShapeDtypeStruct((1, 1), jnp.float32),
        ],
        scratch_shapes=[
            pltpu.VMEM((1, E), jnp.float32),
            pltpu.VMEM((1, E), jnp.float32),
            pltpu.VMEM((E, C), jnp.float32),
        ],
        compiler_params=pltpu.CompilerParams(
            dimension_semantics=("arbitrary",)),
    )(x, wg, ltri, ecol, cap, pad, toff)


def _sc_row_gather(idx, table, chunk):
    M = idx.shape[0]
    per_w = M // NW
    nchunks = per_w // chunk
    mesh = plsc.VectorSubcoreMesh(core_axis_name="c", subcore_axis_name="s")

    @functools.partial(
        pl.kernel,
        mesh=mesh,
        out_type=jax.ShapeDtypeStruct((M, D), jnp.float32),
        scratch_types=[
            pltpu.VMEM((chunk,), jnp.int32),
            pltpu.VMEM((chunk,), jnp.int32),
            pltpu.VMEM((chunk, D), jnp.float32),
            pltpu.VMEM((chunk, D), jnp.float32),
            pltpu.SemaphoreType.DMA,
            pltpu.SemaphoreType.DMA,
            pltpu.SemaphoreType.DMA,
            pltpu.SemaphoreType.DMA,
        ],
    )
    def gk(idx_hbm, tab_hbm, out_hbm, idx_v0, idx_v1, rows_v0, rows_v1,
           gsem0, gsem1, wsem0, wsem1):
        wid = lax.axis_index("s") * 2 + lax.axis_index("c")
        base = wid * per_w
        idx_v = (idx_v0, idx_v1)
        rows_v = (rows_v0, rows_v1)
        gsem = (gsem0, gsem1)
        wsem = (wsem0, wsem1)

        gcp = [None, None]
        wcp = [None, None]
        for j in range(nchunks):
            b = j & 1
            if wcp[b] is not None:
                wcp[b].wait()
            pltpu.sync_copy(idx_hbm.at[pl.ds(base + j * chunk, chunk)],
                            idx_v[b])
            gcp[b] = pltpu.async_copy(tab_hbm.at[idx_v[b]], rows_v[b],
                                      gsem[b])
            if j >= 1:
                pb = 1 - b
                gcp[pb].wait()
                wcp[pb] = pltpu.async_copy(
                    rows_v[pb], out_hbm.at[pl.ds(base + (j - 1) * chunk,
                                                 chunk)], wsem[pb])
        lb_ = (nchunks - 1) & 1
        gcp[lb_].wait()
        wcp[lb_] = pltpu.async_copy(
            rows_v[lb_], out_hbm.at[pl.ds(base + (nchunks - 1) * chunk,
                                          chunk)], wsem[lb_])
        wcp[lb_].wait()
        if nchunks >= 2:
            wcp[1 - lb_].wait()

    return gk(idx, table)


EPG = 2


def _ffn_body(buf_ref, w1_ref, b1_ref, w2_ref, b2_ref, y_ref):
    for j in range(EPG):
        bb = buf_ref[j].astype(jnp.bfloat16)
        h = lax.dot_general(bb, w1_ref[j].astype(jnp.bfloat16),
                            (((1,), (0,)), ((), ())),
                            preferred_element_type=jnp.float32)
        h = jnp.maximum(h + b1_ref[j], 0.0).astype(jnp.bfloat16)
        y = lax.dot_general(h, w2_ref[j].astype(jnp.bfloat16),
                            (((1,), (0,)), ((), ())),
                            preferred_element_type=jnp.float32)
        y_ref[j] = y + b2_ref[j]


def _ffn(buf, w1, b1r, w2, b2r):
    return pl.pallas_call(
        _ffn_body,
        grid=(E // EPG,),
        in_specs=[
            pl.BlockSpec((EPG, C, D), lambda e: (e, 0, 0)),
            pl.BlockSpec((EPG, D, F), lambda e: (e, 0, 0)),
            pl.BlockSpec((EPG, 1, F), lambda e: (e, 0, 0)),
            pl.BlockSpec((EPG, F, D), lambda e: (e, 0, 0)),
            pl.BlockSpec((EPG, 1, D), lambda e: (e, 0, 0)),
        ],
        out_specs=pl.BlockSpec((EPG, C, D), lambda e: (e, 0, 0)),
        out_shape=jax.ShapeDtypeStruct((E, C, D), jnp.float32),
        compiler_params=pltpu.CompilerParams(
            dimension_semantics=("parallel",)),
    )(buf, w1, b1r, w2, b2r)


def _combine_body(r0_ref, r1_ref, wg0_ref, wg1_ref, out_ref):
    out_ref[...] = r0_ref[...] * wg0_ref[...] + r1_ref[...] * wg1_ref[...]


def _combine(rows, wg0, wg1):
    return pl.pallas_call(
        _combine_body,
        grid=(NB,),
        in_specs=[
            pl.BlockSpec((TB, D), lambda i: (i, 0)),
            pl.BlockSpec((TB, D), lambda i: (i + NB, 0)),
            pl.BlockSpec((TB, 1), lambda i: (i, 0)),
            pl.BlockSpec((TB, 1), lambda i: (i, 0)),
        ],
        out_specs=pl.BlockSpec((TB, D), lambda i: (i, 0)),
        out_shape=jax.ShapeDtypeStruct((N, D), jnp.float32),
    )(rows, rows, wg0, wg1)


def kernel(tokens, Wg, W1, b1, W2, b2):
    x = tokens.reshape(N, D)
    x_pad = jnp.concatenate([x, jnp.zeros((PAD, D), jnp.float32)], axis=0)

    (logits, idx, dst0, dst1, wg0, wg1, tok, lb) = _router(x, Wg)
    buf = _sc_row_gather(tok.reshape(-1), x_pad, chunk=80)

    y = _ffn(buf.reshape(E, C, D), W1, b1.reshape(E, 1, F),
             W2, b2.reshape(E, 1, D))

    dst = jnp.concatenate([dst0.reshape(-1), dst1.reshape(-1)], axis=0)
    rows = _sc_row_gather(dst, y.reshape(EC, D), chunk=64)

    out = _combine(rows, wg0, wg1)

    return (logits.reshape(B, T, E), idx.reshape(B, T, K),
            buf.reshape(E, C, D), out.reshape(B, T, D),
            lb.reshape(()), jnp.zeros((), jnp.float32))

# --- scband reference (transcript-rebuilt; emitter-appended) ---
"""Pipeline reference for scband-mo-eloss-58256936403624 (READ-ONLY COPY).

The authoritative reference and input builder live on the scoring server;
editing this copy changes nothing except your own understanding.
"""

import jax, jax.numpy as jnp
import numpy as np

E = 64
K = 2
D = 768
F = 768
C = 160
B = 2
T = 2048

def setup_inputs(seed: int = 0):
    key = jax.random.key(seed)
    ks = jax.random.split(key, 6)
    tokens = jax.random.normal(ks[0], (B, T, D), dtype=jnp.float32)
    Wg = jax.random.normal(ks[1], (D, E), dtype=jnp.float32) * (D ** -0.5)
    W1 = jax.random.normal(ks[2], (E, D, F), dtype=jnp.float32) * (D ** -0.5)
    b1 = jnp.zeros((E, F), dtype=jnp.float32)
    W2 = jax.random.normal(ks[3], (E, F, D), dtype=jnp.float32) * (F ** -0.5)
    b2 = jnp.zeros((E, D), dtype=jnp.float32)
    return {"tokens": tokens, "Wg": Wg, "W1": W1, "b1": b1, "W2": W2, "b2": b2}

def _moe_forward(tokens, Wg, W1, b1, W2, b2):
    Bb, Tt, Dd = tokens.shape
    N = Bb * Tt
    x = tokens.reshape(N, Dd)
    clean_logits = x @ Wg
    topk_vals, topk_idx = jax.lax.top_k(clean_logits, K)
    gates = jax.nn.softmax(topk_vals, axis=-1)
    flat_e = topk_idx.reshape(-1)
    flat_g = gates.reshape(-1)
    onehot = jax.nn.one_hot(flat_e, E, dtype=jnp.int32)
    pos = (jnp.cumsum(onehot, axis=0) * onehot).sum(-1) - 1
    keep = pos < C
    safe_pos = jnp.where(keep, pos, 0)
    x_rep = jnp.repeat(x, K, axis=0)
    vals = jnp.where(keep[:, None], x_rep, 0.0)
    buf = jnp.zeros((E, C, Dd), dtype=x.dtype).at[flat_e, safe_pos].add(vals)
    h = jax.nn.relu(jnp.einsum('ecd,edf->ecf', buf, W1) + b1[:, None, :])
    y = jnp.einsum('ecf,efd->ecd', h, W2) + b2[:, None, :]
    gathered = y[flat_e, safe_pos] * keep[:, None].astype(y.dtype)
    out = (gathered * flat_g[:, None]).reshape(N, K, Dd).sum(axis=1).reshape(Bb, Tt, Dd)
    return clean_logits.reshape(Bb, Tt, E), topk_idx.reshape(Bb, Tt, K), buf, out

def reference(tokens, Wg, W1, b1, W2, b2):
    clean_logits, topk_indices, expert_tokens, output = _moe_forward(tokens, Wg, W1, b1, W2, b2)
    Bb, Tt, Kk = topk_indices.shape
    probs = jax.nn.softmax(clean_logits, axis=-1)
    avg_probs = probs.mean(axis=(0, 1))
    one_hot = jax.nn.one_hot(topk_indices.reshape(-1), E, dtype=jnp.float32)
    f = one_hot.sum(axis=0) / (Bb * Tt * Kk)
    lb_loss = E * jnp.dot(f, avg_probs)
    routing_entropy = jnp.zeros((), dtype=jnp.float32)
    return clean_logits, topk_indices, expert_tokens, output, lb_loss, routing_entropy

if __name__ == "__main__":
    import jax
    _d = setup_inputs()
    print(jax.jit(kernel)(*tuple(_d.values())))

</pallas_src>

<mosaic_0001>
#map = affine_map<(d0, d1) -> (0)>
#map1 = affine_map<(d0, d1) -> (0, 0)>
module attributes {stable_mosaic.version = 14 : i64} {
  func.func @gk(%arg0: i32, %arg1: i32, %arg2: memref<10240xi32, #tpu.memory_space<hbm>>, %arg3: memref<5120x768xf32, #tpu.memory_space<hbm>>, %arg4: memref<10240x768xf32, #tpu.memory_space<hbm>>, %arg5: memref<80xi32, #tpu.memory_space<vmem>>, %arg6: memref<80xi32, #tpu.memory_space<vmem>>, %arg7: memref<80x768xf32, #tpu.memory_space<vmem>>, %arg8: memref<80x768xf32, #tpu.memory_space<vmem>>, %arg9: memref<!tpu.dma_semaphore, #tpu.memory_space<semaphore_mem>>, %arg10: memref<!tpu.dma_semaphore, #tpu.memory_space<semaphore_mem>>, %arg11: memref<!tpu.dma_semaphore, #tpu.memory_space<semaphore_mem>>, %arg12: memref<!tpu.dma_semaphore, #tpu.memory_space<semaphore_mem>>) attributes {dimension_semantics = [#tpu.dimension_semantics<core_parallel>, #tpu.dimension_semantics<subcore_parallel>], iteration_bounds = array<i64: 2, 16>, scalar_prefetch = 0 : i64, scratch_operands = 8 : i64, tpu.core_type = #tpu.core_type<sc_vector_subcore>, window_params = [{transform_indices = #map}, {transform_indices = #map1}, {transform_indices = #map1}]} {
    %mul3A = arith.constant 2 : i32
    %mul3A_0 = arith.muli %arg1, %mul3A : i32
    %add3A = arith.addi %mul3A_0, %arg0 : i32
    %mul3A_1 = arith.constant 320 : i32
    %mul3A_2 = arith.muli %add3A, %mul3A_1 : i32
    %add3A_3 = arith.constant 0 : i32
    %add3A_4 = arith.addi %mul3A_2, %add3A_3 : i32
    "tpu.region"() ({
      %run_scoped3A = tpu.sem_alloc : memref<!tpu.dma_semaphore, #tpu.memory_space<semaphore_mem>>
      %dma_start3A_73 = tpu.memref_slice %arg2[%add3A_4] : memref<10240xi32, #tpu.memory_space<hbm>> -> memref<80xi32, #tpu.memory_space<hbm>>
      %dma_start3A_74 = tpu.memref_slice %arg2[%add3A_4] : memref<10240xi32, #tpu.memory_space<hbm>> -> memref<80xi32, #tpu.memory_space<hbm>>
      tpu.enqueue_dma source(%dma_start3A_74 : memref<80xi32, #tpu.memory_space<hbm>>) target(%arg5 : memref<80xi32, #tpu.memory_space<vmem>>) target_semaphore(%run_scoped3A : memref<!tpu.dma_semaphore, #tpu.memory_space<semaphore_mem>>)
      %dma_wait3A_75 = tpu.memref_slice %arg2[%add3A_4] : memref<10240xi32, #tpu.memory_space<hbm>> -> memref<80xi32, #tpu.memory_space<hbm>>
      %dma_wait3A_76 = tpu.memref_slice %arg2[%add3A_4] : memref<10240xi32, #tpu.memory_space<hbm>> -> memref<80xi32, #tpu.memory_space<hbm>>
      tpu.wait_dma2 semaphore(%run_scoped3A : memref<!tpu.dma_semaphore, #tpu.memory_space<semaphore_mem>>) src(%dma_wait3A_76 : memref<80xi32, #tpu.memory_space<hbm>>) dst(%arg5 : memref<80xi32, #tpu.memory_space<vmem>>)
      tpu.yield
    }) : () -> ()
    %dma_start3A = arith.constant 0 : i32
    %dma_start3A_5 = arith.constant 0 : i32
    %dma_start3A_6 = tpu.memref_slice %arg3[%dma_start3A, %dma_start3A_5] : memref<5120x768xf32, #tpu.memory_space<hbm>> -> memref<5120x768xf32, #tpu.memory_space<hbm>>
    tpu.enqueue_indirect_dma source(%dma_start3A_6 : memref<5120x768xf32, #tpu.memory_space<hbm>>) target(%arg7 : memref<80x768xf32, #tpu.memory_space<vmem>>) offsets(%arg5 : memref<80xi32, #tpu.memory_space<vmem>>) semaphore(%arg9 : memref<!tpu.dma_semaphore, #tpu.memory_space<semaphore_mem>>)
    %add3A_7 = arith.constant 80 : i32
    %add3A_8 = arith.addi %mul3A_2, %add3A_7 : i32
    "tpu.region"() ({
      %run_scoped3A = tpu.sem_alloc : memref<!tpu.dma_semaphore, #tpu.memory_space<semaphore_mem>>
      %dma_start3A_73 = tpu.memref_slice %arg2[%add3A_8] : memref<10240xi32, #tpu.memory_space<hbm>> -> memref<80xi32, #tpu.memory_space<hbm>>
      %dma_start3A_74 = tpu.memref_slice %arg2[%add3A_8] : memref<10240xi32, #tpu.memory_space<hbm>> -> memref<80xi32, #tpu.memory_space<hbm>>
      tpu.enqueue_dma source(%dma_start3A_74 : memref<80xi32, #tpu.memory_space<hbm>>) target(%arg6 : memref<80xi32, #tpu.memory_space<vmem>>) target_semaphore(%run_scoped3A : memref<!tpu.dma_semaphore, #tpu.memory_space<semaphore_mem>>)
      %dma_wait3A_75 = tpu.memref_slice %arg2[%add3A_8] : memref<10240xi32, #tpu.memory_space<hbm>> -> memref<80xi32, #tpu.memory_space<hbm>>
      %dma_wait3A_76 = tpu.memref_slice %arg2[%add3A_8] : memref<10240xi32, #tpu.memory_space<hbm>> -> memref<80xi32, #tpu.memory_space<hbm>>
      tpu.wait_dma2 semaphore(%run_scoped3A : memref<!tpu.dma_semaphore, #tpu.memory_space<semaphore_mem>>) src(%dma_wait3A_76 : memref<80xi32, #tpu.memory_space<hbm>>) dst(%arg6 : memref<80xi32, #tpu.memory_space<vmem>>)
      tpu.yield
    }) : () -> ()
    %dma_start3A_9 = arith.constant 0 : i32
    %dma_start3A_10 = arith.constant 0 : i32
    %dma_start3A_11 = tpu.memref_slice %arg3[%dma_start3A_9, %dma_start3A_10] : memref<5120x768xf32, #tpu.memory_space<hbm>> -> memref<5120x768xf32, #tpu.memory_space<hbm>>
    tpu.enqueue_indirect_dma source(%dma_start3A_11 : memref<5120x768xf32, #tpu.memory_space<hbm>>) target(%arg8 : memref<80x768xf32, #tpu.memory_space<vmem>>) offsets(%arg6 : memref<80xi32, #tpu.memory_space<vmem>>) semaphore(%arg10 : memref<!tpu.dma_semaphore, #tpu.memory_space<semaphore_mem>>)
    %dma_wait3A = arith.constant 0 : i32
    %dma_wait3A_12 = arith.constant 0 : i32
    %dma_wait3A_13 = tpu.memref_slice %arg3[%dma_wait3A, %dma_wait3A_12] : memref<5120x768xf32, #tpu.memory_space<hbm>> -> memref<5120x768xf32, #tpu.memory_space<hbm>>
    tpu.wait_indirect_dma semaphore(%arg9 : memref<!tpu.dma_semaphore, #tpu.memory_space<semaphore_mem>>) src(%dma_wait3A_13 : memref<5120x768xf32, #tpu.memory_space<hbm>>) dst(%arg7 : memref<80x768xf32, #tpu.memory_space<vmem>>)
    %add3A_14 = arith.constant 0 : i32
    %add3A_15 = arith.addi %mul3A_2, %add3A_14 : i32
    %dma_start3A_16 = arith.constant 0 : i32
    %dma_start3A_17 = tpu.memref_slice %arg4[%add3A_15, %dma_start3A_16] : memref<10240x768xf32, #tpu.memory_space<hbm>> -> memref<80x768xf32, #tpu.memory_space<hbm>>
    %dma_start3A_18 = arith.constant 0 : i32
    %dma_start3A_19 = tpu.memref_slice %arg4[%add3A_15, %dma_start3A_18] : memref<10240x768xf32, #tpu.memory_space<hbm>> -> memref<80x768xf32, #tpu.memory_space<hbm>>
    tpu.enqueue_dma source(%arg7 : memref<80x768xf32, #tpu.memory_space<vmem>>) target(%dma_start3A_19 : memref<80x768xf32, #tpu.memory_space<hbm>>) target_semaphore(%arg11 : memref<!tpu.dma_semaphore, #tpu.memory_space<semaphore_mem>>)
    %dma_wait3A_20 = arith.constant 0 : i32
    %dma_wait3A_21 = tpu.memref_slice %arg4[%add3A_15, %dma_wait3A_20] : memref<10240x768xf32, #tpu.memory_space<hbm>> -> memref<80x768xf32, #tpu.memory_space<hbm>>
    %dma_wait3A_22 = arith.constant 0 : i32
    %dma_wait3A_23 = tpu.memref_slice %arg4[%add3A_15, %dma_wait3A_22] : memref<10240x768xf32, #tpu.memory_space<hbm>> -> memref<80x768xf32, #tpu.memory_space<hbm>>
    tpu.wait_dma2 semaphore(%arg11 : memref<!tpu.dma_semaphore, #tpu.memory_space<semaphore_mem>>) src(%arg7 : memref<80x768xf32, #tpu.memory_space<vmem>>) dst(%dma_wait3A_23 : memref<80x768xf32, #tpu.memory_space<hbm>>)
    %add3A_24 = arith.constant 160 : i32
    %add3A_25 = arith.addi %mul3A_2, %add3A_24 : i32
    "tpu.region"() ({
      %run_scoped3A = tpu.sem_alloc : memref<!tpu.dma_semaphore, #tpu.memory_space<semaphore_mem>>
      %dma_start3A_73 = tpu.memref_slice %arg2[%add3A_25] : memref<10240xi32, #tpu.memory_space<hbm>> -> memref<80xi32, #tpu.memory_space<hbm>>
      %dma_start3A_74 = tpu.memref_slice %arg2[%add3A_25] : memref<10240xi32, #tpu.memory_space<hbm>> -> memref<80xi32, #tpu.memory_space<hbm>>
      tpu.enqueue_dma source(%dma_start3A_74 : memref<80xi32, #tpu.memory_space<hbm>>) target(%arg5 : memref<80xi32, #tpu.memory_space<vmem>>) target_semaphore(%run_scoped3A : memref<!tpu.dma_semaphore, #tpu.memory_space<semaphore_mem>>)
      %dma_wait3A_75 = tpu.memref_slice %arg2[%add3A_25] : memref<10240xi32, #tpu.memory_space<hbm>> -> memref<80xi32, #tpu.memory_space<hbm>>
      %dma_wait3A_76 = tpu.memref_slice %arg2[%add3A_25] : memref<10240xi32, #tpu.memory_space<hbm>> -> memref<80xi32, #tpu.memory_space<hbm>>
      tpu.wait_dma2 semaphore(%run_scoped3A : memref<!tpu.dma_semaphore, #tpu.memory_space<semaphore_mem>>) src(%dma_wait3A_76 : memref<80xi32, #tpu.memory_space<hbm>>) dst(%arg5 : memref<80xi32, #tpu.memory_space<vmem>>)
      tpu.yield
    }) : () -> ()
    %dma_start3A_26 = arith.constant 0 : i32
    %dma_start3A_27 = arith.constant 0 : i32
    %dma_start3A_28 = tpu.memref_slice %arg3[%dma_start3A_26, %dma_start3A_27] : memref<5120x768xf32, #tpu.memory_space<hbm>> -> memref<5120x768xf32, #tpu.memory_space<hbm>>
    tpu.enqueue_indirect_dma source(%dma_start3A_28 : memref<5120x768xf32, #tpu.memory_space<hbm>>) target(%arg7 : memref<80x768xf32, #tpu.memory_space<vmem>>) offsets(%arg5 : memref<80xi32, #tpu.memory_space<vmem>>) semaphore(%arg9 : memref<!tpu.dma_semaphore, #tpu.memory_space<semaphore_mem>>)
    %dma_wait3A_29 = arith.constant 0 : i32
    %dma_wait3A_30 = arith.constant 0 : i32
    %dma_wait3A_31 = tpu.memref_slice %arg3[%dma_wait3A_29, %dma_wait3A_30] : memref<5120x768xf32, #tpu.memory_space<hbm>> -> memref<5120x768xf32, #tpu.memory_space<hbm>>
    tpu.wait_indirect_dma semaphore(%arg10 : memref<!tpu.dma_semaphore, #tpu.memory_space<semaphore_mem>>) src(%dma_wait3A_31 : memref<5120x768xf32, #tpu.memory_space<hbm>>) dst(%arg8 : memref<80x768xf32, #tpu.memory_space<vmem>>)
    %add3A_32 = arith.constant 80 : i32
    %add3A_33 = arith.addi %mul3A_2, %add3A_32 : i32
    %dma_start3A_34 = arith.constant 0 : i32
    %dma_start3A_35 = tpu.memref_slice %arg4[%add3A_33, %dma_start3A_34] : memref<10240x768xf32, #tpu.memory_space<hbm>> -> memref<80x768xf32, #tpu.memory_space<hbm>>
    %dma_start3A_36 = arith.constant 0 : i32
    %dma_start3A_37 = tpu.memref_slice %arg4[%add3A_33, %dma_start3A_36] : memref<10240x768xf32, #tpu.memory_space<hbm>> -> memref<80x768xf32, #tpu.memory_space<hbm>>
    tpu.enqueue_dma source(%arg8 : memref<80x768xf32, #tpu.memory_space<vmem>>) target(%dma_start3A_37 : memref<80x768xf32, #tpu.memory_space<hbm>>) target_semaphore(%arg12 : memref<!tpu.dma_semaphore, #tpu.memory_space<semaphore_mem>>)
    %dma_wait3A_38 = arith.constant 0 : i32
    %dma_wait3A_39 = tpu.memref_slice %arg4[%add3A_33, %dma_wait3A_38] : memref<10240x768xf32, #tpu.memory_space<hbm>> -> memref<80x768xf32, #tpu.memory_space<hbm>>
    %dma_wait3A_40 = arith.constant 0 : i32
    %dma_wait3A_41 = tpu.memref_slice %arg4[%add3A_33, %dma_wait3A_40] : memref<10240x768xf32, #tpu.memory_space<hbm>> -> memref<80x768xf32, #tpu.memory_space<hbm>>
    tpu.wait_dma2 semaphore(%arg12 : memref<!tpu.dma_semaphore, #tpu.memory_space<semaphore_mem>>) src(%arg8 : memref<80x768xf32, #tpu.memory_space<vmem>>) dst(%dma_wait3A_41 : memref<80x768xf32, #tpu.memory_space<hbm>>)
    %add3A_42 = arith.constant 240 : i32
    %add3A_43 = arith.addi %mul3A_2, %add3A_42 : i32
    "tpu.region"() ({
      %run_scoped3A = tpu.sem_alloc : memref<!tpu.dma_semaphore, #tpu.memory_space<semaphore_mem>>
      %dma_start3A_73 = tpu.memref_slice %arg2[%add3A_43] : memref<10240xi32, #tpu.memory_space<hbm>> -> memref<80xi32, #tpu.memory_space<hbm>>
      %dma_start3A_74 = tpu.memref_slice %arg2[%add3A_43] : memref<10240xi32, #tpu.memory_space<hbm>> -> memref<80xi32, #tpu.memory_space<hbm>>
      tpu.enqueue_dma source(%dma_start3A_74 : memref<80xi32, #tpu.memory_space<hbm>>) target(%arg6 : memref<80xi32, #tpu.memory_space<vmem>>) target_semaphore(%run_scoped3A : memref<!tpu.dma_semaphore, #tpu.memory_space<semaphore_mem>>)
      %dma_wait3A_75 = tpu.memref_slice %arg2[%add3A_43] : memref<10240xi32, #tpu.memory_space<hbm>> -> memref<80xi32, #tpu.memory_space<hbm>>
      %dma_wait3A_76 = tpu.memref_slice %arg2[%add3A_43] : memref<10240xi32, #tpu.memory_space<hbm>> -> memref<80xi32, #tpu.memory_space<hbm>>
      tpu.wait_dma2 semaphore(%run_scoped3A : memref<!tpu.dma_semaphore, #tpu.memory_space<semaphore_mem>>) src(%dma_wait3A_76 : memref<80xi32, #tpu.memory_space<hbm>>) dst(%arg6 : memref<80xi32, #tpu.memory_space<vmem>>)
      tpu.yield
    }) : () -> ()
    %dma_start3A_44 = arith.constant 0 : i32
    %dma_start3A_45 = arith.constant 0 : i32
    %dma_start3A_46 = tpu.memref_slice %arg3[%dma_start3A_44, %dma_start3A_45] : memref<5120x768xf32, #tpu.memory_space<hbm>> -> memref<5120x768xf32, #tpu.memory_space<hbm>>
    tpu.enqueue_indirect_dma source(%dma_start3A_46 : memref<5120x768xf32, #tpu.memory_space<hbm>>) target(%arg8 : memref<80x768xf32, #tpu.memory_space<vmem>>) offsets(%arg6 : memref<80xi32, #tpu.memory_space<vmem>>) semaphore(%arg10 : memref<!tpu.dma_semaphore, #tpu.memory_space<semaphore_mem>>)
    %dma_wait3A_47 = arith.constant 0 : i32
    %dma_wait3A_48 = arith.constant 0 : i32
    %dma_wait3A_49 = tpu.memref_slice %arg3[%dma_wait3A_47, %dma_wait3A_48] : memref<5120x768xf32, #tpu.memory_space<hbm>> -> memref<5120x768xf32, #tpu.memory_space<hbm>>
    tpu.wait_indirect_dma semaphore(%arg9 : memref<!tpu.dma_semaphore, #tpu.memory_space<semaphore_mem>>) src(%dma_wait3A_49 : memref<5120x768xf32, #tpu.memory_space<hbm>>) dst(%arg7 : memref<80x768xf32, #tpu.memory_space<vmem>>)
    %add3A_50 = arith.constant 160 : i32
    %add3A_51 = arith.addi %mul3A_2, %add3A_50 : i32
    %dma_start3A_52 = arith.constant 0 : i32
    %dma_start3A_53 = tpu.memref_slice %arg4[%add3A_51, %dma_start3A_52] : memref<10240x768xf32, #tpu.memory_space<hbm>> -> memref<80x768xf32, #tpu.memory_space<hbm>>
    %dma_start3A_54 = arith.constant 0 : i32
    %dma_start3A_55 = tpu.memref_slice %arg4[%add3A_51, %dma_start3A_54] : memref<10240x768xf32, #tpu.memory_space<hbm>> -> memref<80x768xf32, #tpu.memory_space<hbm>>
    tpu.enqueue_dma source(%arg7 : memref<80x768xf32, #tpu.memory_space<vmem>>) target(%dma_start3A_55 : memref<80x768xf32, #tpu.memory_space<hbm>>) target_semaphore(%arg11 : memref<!tpu.dma_semaphore, #tpu.memory_space<semaphore_mem>>)
    %dma_wait3A_56 = arith.constant 0 : i32
    %dma_wait3A_57 = arith.constant 0 : i32
    %dma_wait3A_58 = tpu.memref_slice %arg3[%dma_wait3A_56, %dma_wait3A_57] : memref<5120x768xf32, #tpu.memory_space<hbm>> -> memref<5120x768xf32, #tpu.memory_space<hbm>>
    tpu.wait_indirect_dma semaphore(%arg10 : memref<!tpu.dma_semaphore, #tpu.memory_space<semaphore_mem>>) src(%dma_wait3A_58 : memref<5120x768xf32, #tpu.memory_space<hbm>>) dst(%arg8 : memref<80x768xf32, #tpu.memory_space<vmem>>)
    %add3A_59 = arith.constant 240 : i32
    %add3A_60 = arith.addi %mul3A_2, %add3A_59 : i32
    %dma_start3A_61 = arith.constant 0 : i32
    %dma_start3A_62 = tpu.memref_slice %arg4[%add3A_60, %dma_start3A_61] : memref<10240x768xf32, #tpu.memory_space<hbm>> -> memref<80x768xf32, #tpu.memory_space<hbm>>
    %dma_start3A_63 = arith.constant 0 : i32
    %dma_start3A_64 = tpu.memref_slice %arg4[%add3A_60, %dma_start3A_63] : memref<10240x768xf32, #tpu.memory_space<hbm>> -> memref<80x768xf32, #tpu.memory_space<hbm>>
    tpu.enqueue_dma source(%arg8 : memref<80x768xf32, #tpu.memory_space<vmem>>) target(%dma_start3A_64 : memref<80x768xf32, #tpu.memory_space<hbm>>) target_semaphore(%arg12 : memref<!tpu.dma_semaphore, #tpu.memory_space<semaphore_mem>>)
    %dma_wait3A_65 = arith.constant 0 : i32
    %dma_wait3A_66 = tpu.memref_slice %arg4[%add3A_60, %dma_wait3A_65] : memref<10240x768xf32, #tpu.memory_space<hbm>> -> memref<80x768xf32, #tpu.memory_space<hbm>>
    %dma_wait3A_67 = arith.constant 0 : i32
    %dma_wait3A_68 = tpu.memref_slice %arg4[%add3A_60, %dma_wait3A_67] : memref<10240x768xf32, #tpu.memory_space<hbm>> -> memref<80x768xf32, #tpu.memory_space<hbm>>
    tpu.wait_dma2 semaphore(%arg12 : memref<!tpu.dma_semaphore, #tpu.memory_space<semaphore_mem>>) src(%arg8 : memref<80x768xf32, #tpu.memory_space<vmem>>) dst(%dma_wait3A_68 : memref<80x768xf32, #tpu.memory_space<hbm>>)
    %dma_wait3A_69 = arith.constant 0 : i32
    %dma_wait3A_70 = tpu.memref_slice %arg4[%add3A_51, %dma_wait3A_69] : memref<10240x768xf32, #tpu.memory_space<hbm>> -> memref<80x768xf32, #tpu.memory_space<hbm>>
    %dma_wait3A_71 = arith.constant 0 : i32
    %dma_wait3A_72 = tpu.memref_slice %arg4[%add3A_51, %dma_wait3A_71] : memref<10240x768xf32, #tpu.memory_space<hbm>> -> memref<80x768xf32, #tpu.memory_space<hbm>>
    tpu.wait_dma2 semaphore(%arg11 : memref<!tpu.dma_semaphore, #tpu.memory_space<semaphore_mem>>) src(%arg7 : memref<80x768xf32, #tpu.memory_space<vmem>>) dst(%dma_wait3A_72 : memref<80x768xf32, #tpu.memory_space<hbm>>)
    return
  }
}

#map = affine_map<(d0, d1) -> (0)>
#map1 = affine_map<(d0, d1) -> (0, 0)>
module attributes {stable_mosaic.version = 14 : i64} {
  func.func @gk(%arg0: i32, %arg1: i32, %arg2: memref<8192xi32, #tpu.memory_space<hbm>>, %arg3: memref<10240x768xf32, #tpu.memory_space<hbm>>, %arg4: memref<8192x768xf32, #tpu.memory_space<hbm>>, %arg5: memref<64xi32, #tpu.memory_space<vmem>>, %arg6: memref<64xi32, #tpu.memory_space<vmem>>, %arg7: memref<64x768xf32, #tpu.memory_space<vmem>>, %arg8: memref<64x768xf32, #tpu.memory_space<vmem>>, %arg9: memref<!tpu.dma_semaphore, #tpu.memory_space<semaphore_mem>>, %arg10: memref<!tpu.dma_semaphore, #tpu.memory_space<semaphore_mem>>, %arg11: memref<!tpu.dma_semaphore, #tpu.memory_space<semaphore_mem>>, %arg12: memref<!tpu.dma_semaphore, #tpu.memory_space<semaphore_mem>>) attributes {dimension_semantics = [#tpu.dimension_semantics<core_parallel>, #tpu.dimension_semantics<subcore_parallel>], iteration_bounds = array<i64: 2, 16>, scalar_prefetch = 0 : i64, scratch_operands = 8 : i64, tpu.core_type = #tpu.core_type<sc_vector_subcore>, window_params = [{transform_indices = #map}, {transform_indices = #map1}, {transform_indices = #map1}]} {
    %mul3A = arith.constant 2 : i32
    %mul3A_0 = arith.muli %arg1, %mul3A : i32
    %add3A = arith.addi %mul3A_0, %arg0 : i32
    %mul3A_1 = arith.constant 256 : i32
    %mul3A_2 = arith.muli %add3A, %mul3A_1 : i32
    %add3A_3 = arith.constant 0 : i32
    %add3A_4 = arith.addi %mul3A_2, %add3A_3 : i32
    "tpu.region"() ({
      %run_scoped3A = tpu.sem_alloc : memref<!tpu.dma_semaphore, #tpu.memory_space<semaphore_mem>>
      %dma_start3A_73 = tpu.memref_slice %arg2[%add3A_4] : memref<8192xi32, #tpu.memory_space<hbm>> -> memref<64xi32, #tpu.memory_space<hbm>>
      %dma_start3A_74 = tpu.memref_slice %arg2[%add3A_4] : memref<8192xi32, #tpu.memory_space<hbm>> -> memref<64xi32, #tpu.memory_space<hbm>>
      tpu.enqueue_dma source(%dma_start3A_74 : memref<64xi32, #tpu.memory_space<hbm>>) target(%arg5 : memref<64xi32, #tpu.memory_space<vmem>>) target_semaphore(%run_scoped3A : memref<!tpu.dma_semaphore, #tpu.memory_space<semaphore_mem>>)
      %dma_wait3A_75 = tpu.memref_slice %arg2[%add3A_4] : memref<8192xi32, #tpu.memory_space<hbm>> -> memref<64xi32, #tpu.memory_space<hbm>>
      %dma_wait3A_76 = tpu.memref_slice %arg2[%add3A_4] : memref<8192xi32, #tpu.memory_space<hbm>> -> memref<64xi32, #tpu.memory_space<hbm>>
      tpu.wait_dma2 semaphore(%run_scoped3A : memref<!tpu.dma_semaphore, #tpu.memory_space<semaphore_mem>>) src(%dma_wait3A_76 : memref<64xi32, #tpu.memory_space<hbm>>) dst(%arg5 : memref<64xi32, #tpu.memory_space<vmem>>)
      tpu.yield
    }) : () -> ()
    %dma_start3A = arith.constant 0 : i32
    %dma_start3A_5 = arith.constant 0 : i32
    %dma_start3A_6 = tpu.memref_slice %arg3[%dma_start3A, %dma_start3A_5] : memref<10240x768xf32, #tpu.memory_space<hbm>> -> memref<10240x768xf32, #tpu.memory_space<hbm>>
    tpu.enqueue_indirect_dma source(%dma_start3A_6 : memref<10240x768xf32, #tpu.memory_space<hbm>>) target(%arg7 : memref<64x768xf32, #tpu.memory_space<vmem>>) offsets(%arg5 : memref<64xi32, #tpu.memory_space<vmem>>) semaphore(%arg9 : memref<!tpu.dma_semaphore, #tpu.memory_space<semaphore_mem>>)
    %add3A_7 = arith.constant 64 : i32
    %add3A_8 = arith.addi %mul3A_2, %add3A_7 : i32
    "tpu.region"() ({
      %run_scoped3A = tpu.sem_alloc : memref<!tpu.dma_semaphore, #tpu.memory_space<semaphore_mem>>
      %dma_start3A_73 = tpu.memref_slice %arg2[%add3A_8] : memref<8192xi32, #tpu.memory_space<hbm>> -> memref<64xi32, #tpu.memory_space<hbm>>
      %dma_start3A_74 = tpu.memref_slice %arg2[%add3A_8] : memref<8192xi32, #tpu.memory_space<hbm>> -> memref<64xi32, #tpu.memory_space<hbm>>
      tpu.enqueue_dma source(%dma_start3A_74 : memref<64xi32, #tpu.memory_space<hbm>>) target(%arg6 : memref<64xi32, #tpu.memory_space<vmem>>) target_semaphore(%run_scoped3A : memref<!tpu.dma_semaphore, #tpu.memory_space<semaphore_mem>>)
      %dma_wait3A_75 = tpu.memref_slice %arg2[%add3A_8] : memref<8192xi32, #tpu.memory_space<hbm>> -> memref<64xi32, #tpu.memory_space<hbm>>
      %dma_wait3A_76 = tpu.memref_slice %arg2[%add3A_8] : memref<8192xi32, #tpu.memory_space<hbm>> -> memref<64xi32, #tpu.memory_space<hbm>>
      tpu.wait_dma2 semaphore(%run_scoped3A : memref<!tpu.dma_semaphore, #tpu.memory_space<semaphore_mem>>) src(%dma_wait3A_76 : memref<64xi32, #tpu.memory_space<hbm>>) dst(%arg6 : memref<64xi32, #tpu.memory_space<vmem>>)
      tpu.yield
    }) : () -> ()
    %dma_start3A_9 = arith.constant 0 : i32
    %dma_start3A_10 = arith.constant 0 : i32
    %dma_start3A_11 = tpu.memref_slice %arg3[%dma_start3A_9, %dma_start3A_10] : memref<10240x768xf32, #tpu.memory_space<hbm>> -> memref<10240x768xf32, #tpu.memory_space<hbm>>
    tpu.enqueue_indirect_dma source(%dma_start3A_11 : memref<10240x768xf32, #tpu.memory_space<hbm>>) target(%arg8 : memref<64x768xf32, #tpu.memory_space<vmem>>) offsets(%arg6 : memref<64xi32, #tpu.memory_space<vmem>>) semaphore(%arg10 : memref<!tpu.dma_semaphore, #tpu.memory_space<semaphore_mem>>)
    %dma_wait3A = arith.constant 0 : i32
    %dma_wait3A_12 = arith.constant 0 : i32
    %dma_wait3A_13 = tpu.memref_slice %arg3[%dma_wait3A, %dma_wait3A_12] : memref<10240x768xf32, #tpu.memory_space<hbm>> -> memref<10240x768xf32, #tpu.memory_space<hbm>>
    tpu.wait_indirect_dma semaphore(%arg9 : memref<!tpu.dma_semaphore, #tpu.memory_space<semaphore_mem>>) src(%dma_wait3A_13 : memref<10240x768xf32, #tpu.memory_space<hbm>>) dst(%arg7 : memref<64x768xf32, #tpu.memory_space<vmem>>)
    %add3A_14 = arith.constant 0 : i32
    %add3A_15 = arith.addi %mul3A_2, %add3A_14 : i32
    %dma_start3A_16 = arith.constant 0 : i32
    %dma_start3A_17 = tpu.memref_slice %arg4[%add3A_15, %dma_start3A_16] : memref<8192x768xf32, #tpu.memory_space<hbm>> -> memref<64x768xf32, #tpu.memory_space<hbm>>
    %dma_start3A_18 = arith.constant 0 : i32
    %dma_start3A_19 = tpu.memref_slice %arg4[%add3A_15, %dma_start3A_18] : memref<8192x768xf32, #tpu.memory_space<hbm>> -> memref<64x768xf32, #tpu.memory_space<hbm>>
    tpu.enqueue_dma source(%arg7 : memref<64x768xf32, #tpu.memory_space<vmem>>) target(%dma_start3A_19 : memref<64x768xf32, #tpu.memory_space<hbm>>) target_semaphore(%arg11 : memref<!tpu.dma_semaphore, #tpu.memory_space<semaphore_mem>>)
    %dma_wait3A_20 = arith.constant 0 : i32
    %dma_wait3A_21 = tpu.memref_slice %arg4[%add3A_15, %dma_wait3A_20] : memref<8192x768xf32, #tpu.memory_space<hbm>> -> memref<64x768xf32, #tpu.memory_space<hbm>>
    %dma_wait3A_22 = arith.constant 0 : i32
    %dma_wait3A_23 = tpu.memref_slice %arg4[%add3A_15, %dma_wait3A_22] : memref<8192x768xf32, #tpu.memory_space<hbm>> -> memref<64x768xf32, #tpu.memory_space<hbm>>
    tpu.wait_dma2 semaphore(%arg11 : memref<!tpu.dma_semaphore, #tpu.memory_space<semaphore_mem>>) src(%arg7 : memref<64x768xf32, #tpu.memory_space<vmem>>) dst(%dma_wait3A_23 : memref<64x768xf32, #tpu.memory_space<hbm>>)
    %add3A_24 = arith.constant 128 : i32
    %add3A_25 = arith.addi %mul3A_2, %add3A_24 : i32
    "tpu.region"() ({
      %run_scoped3A = tpu.sem_alloc : memref<!tpu.dma_semaphore, #tpu.memory_space<semaphore_mem>>
      %dma_start3A_73 = tpu.memref_slice %arg2[%add3A_25] : memref<8192xi32, #tpu.memory_space<hbm>> -> memref<64xi32, #tpu.memory_space<hbm>>
      %dma_start3A_74 = tpu.memref_slice %arg2[%add3A_25] : memref<8192xi32, #tpu.memory_space<hbm>> -> memref<64xi32, #tpu.memory_space<hbm>>
      tpu.enqueue_dma source(%dma_start3A_74 : memref<64xi32, #tpu.memory_space<hbm>>) target(%arg5 : memref<64xi32, #tpu.memory_space<vmem>>) target_semaphore(%run_scoped3A : memref<!tpu.dma_semaphore, #tpu.memory_space<semaphore_mem>>)
      %dma_wait3A_75 = tpu.memref_slice %arg2[%add3A_25] : memref<8192xi32, #tpu.memory_space<hbm>> -> memref<64xi32, #tpu.memory_space<hbm>>
      %dma_wait3A_76 = tpu.memref_slice %arg2[%add3A_25] : memref<8192xi32, #tpu.memory_space<hbm>> -> memref<64xi32, #tpu.memory_space<hbm>>
      tpu.wait_dma2 semaphore(%run_scoped3A : memref<!tpu.dma_semaphore, #tpu.memory_space<semaphore_mem>>) src(%dma_wait3A_76 : memref<64xi32, #tpu.memory_space<hbm>>) dst(%arg5 : memref<64xi32, #tpu.memory_space<vmem>>)
      tpu.yield
    }) : () -> ()
    %dma_start3A_26 = arith.constant 0 : i32
    %dma_start3A_27 = arith.constant 0 : i32
    %dma_start3A_28 = tpu.memref_slice %arg3[%dma_start3A_26, %dma_start3A_27] : memref<10240x768xf32, #tpu.memory_space<hbm>> -> memref<10240x768xf32, #tpu.memory_space<hbm>>
    tpu.enqueue_indirect_dma source(%dma_start3A_28 : memref<10240x768xf32, #tpu.memory_space<hbm>>) target(%arg7 : memref<64x768xf32, #tpu.memory_space<vmem>>) offsets(%arg5 : memref<64xi32, #tpu.memory_space<vmem>>) semaphore(%arg9 : memref<!tpu.dma_semaphore, #tpu.memory_space<semaphore_mem>>)
    %dma_wait3A_29 = arith.constant 0 : i32
    %dma_wait3A_30 = arith.constant 0 : i32
    %dma_wait3A_31 = tpu.memref_slice %arg3[%dma_wait3A_29, %dma_wait3A_30] : memref<10240x768xf32, #tpu.memory_space<hbm>> -> memref<10240x768xf32, #tpu.memory_space<hbm>>
    tpu.wait_indirect_dma semaphore(%arg10 : memref<!tpu.dma_semaphore, #tpu.memory_space<semaphore_mem>>) src(%dma_wait3A_31 : memref<10240x768xf32, #tpu.memory_space<hbm>>) dst(%arg8 : memref<64x768xf32, #tpu.memory_space<vmem>>)
    %add3A_32 = arith.constant 64 : i32
    %add3A_33 = arith.addi %mul3A_2, %add3A_32 : i32
    %dma_start3A_34 = arith.constant 0 : i32
    %dma_start3A_35 = tpu.memref_slice %arg4[%add3A_33, %dma_start3A_34] : memref<8192x768xf32, #tpu.memory_space<hbm>> -> memref<64x768xf32, #tpu.memory_space<hbm>>
    %dma_start3A_36 = arith.constant 0 : i32
    %dma_start3A_37 = tpu.memref_slice %arg4[%add3A_33, %dma_start3A_36] : memref<8192x768xf32, #tpu.memory_space<hbm>> -> memref<64x768xf32, #tpu.memory_space<hbm>>
    tpu.enqueue_dma source(%arg8 : memref<64x768xf32, #tpu.memory_space<vmem>>) target(%dma_start3A_37 : memref<64x768xf32, #tpu.memory_space<hbm>>) target_semaphore(%arg12 : memref<!tpu.dma_semaphore, #tpu.memory_space<semaphore_mem>>)
    %dma_wait3A_38 = arith.constant 0 : i32
    %dma_wait3A_39 = tpu.memref_slice %arg4[%add3A_33, %dma_wait3A_38] : memref<8192x768xf32, #tpu.memory_space<hbm>> -> memref<64x768xf32, #tpu.memory_space<hbm>>
    %dma_wait3A_40 = arith.constant 0 : i32
    %dma_wait3A_41 = tpu.memref_slice %arg4[%add3A_33, %dma_wait3A_40] : memref<8192x768xf32, #tpu.memory_space<hbm>> -> memref<64x768xf32, #tpu.memory_space<hbm>>
    tpu.wait_dma2 semaphore(%arg12 : memref<!tpu.dma_semaphore, #tpu.memory_space<semaphore_mem>>) src(%arg8 : memref<64x768xf32, #tpu.memory_space<vmem>>) dst(%dma_wait3A_41 : memref<64x768xf32, #tpu.memory_space<hbm>>)
    %add3A_42 = arith.constant 192 : i32
    %add3A_43 = arith.addi %mul3A_2, %add3A_42 : i32
    "tpu.region"() ({
      %run_scoped3A = tpu.sem_alloc : memref<!tpu.dma_semaphore, #tpu.memory_space<semaphore_mem>>
      %dma_start3A_73 = tpu.memref_slice %arg2[%add3A_43] : memref<8192xi32, #tpu.memory_space<hbm>> -> memref<64xi32, #tpu.memory_space<hbm>>
      %dma_start3A_74 = tpu.memref_slice %arg2[%add3A_43] : memref<8192xi32, #tpu.memory_space<hbm>> -> memref<64xi32, #tpu.memory_space<hbm>>
      tpu.enqueue_dma source(%dma_start3A_74 : memref<64xi32, #tpu.memory_space<hbm>>) target(%arg6 : memref<64xi32, #tpu.memory_space<vmem>>) target_semaphore(%run_scoped3A : memref<!tpu.dma_semaphore, #tpu.memory_space<semaphore_mem>>)
      %dma_wait3A_75 = tpu.memref_slice %arg2[%add3A_43] : memref<8192xi32, #tpu.memory_space<hbm>> -> memref<64xi32, #tpu.memory_space<hbm>>
      %dma_wait3A_76 = tpu.memref_slice %arg2[%add3A_43] : memref<8192xi32, #tpu.memory_space<hbm>> -> memref<64xi32, #tpu.memory_space<hbm>>
      tpu.wait_dma2 semaphore(%run_scoped3A : memref<!tpu.dma_semaphore, #tpu.memory_space<semaphore_mem>>) src(%dma_wait3A_76 : memref<64xi32, #tpu.memory_space<hbm>>) dst(%arg6 : memref<64xi32, #tpu.memory_space<vmem>>)
      tpu.yield
    }) : () -> ()
    %dma_start3A_44 = arith.constant 0 : i32
    %dma_start3A_45 = arith.constant 0 : i32
    %dma_start3A_46 = tpu.memref_slice %arg3[%dma_start3A_44, %dma_start3A_45] : memref<10240x768xf32, #tpu.memory_space<hbm>> -> memref<10240x768xf32, #tpu.memory_space<hbm>>
    tpu.enqueue_indirect_dma source(%dma_start3A_46 : memref<10240x768xf32, #tpu.memory_space<hbm>>) target(%arg8 : memref<64x768xf32, #tpu.memory_space<vmem>>) offsets(%arg6 : memref<64xi32, #tpu.memory_space<vmem>>) semaphore(%arg10 : memref<!tpu.dma_semaphore, #tpu.memory_space<semaphore_mem>>)
    %dma_wait3A_47 = arith.constant 0 : i32
    %dma_wait3A_48 = arith.constant 0 : i32
    %dma_wait3A_49 = tpu.memref_slice %arg3[%dma_wait3A_47, %dma_wait3A_48] : memref<10240x768xf32, #tpu.memory_space<hbm>> -> memref<10240x768xf32, #tpu.memory_space<hbm>>
    tpu.wait_indirect_dma semaphore(%arg9 : memref<!tpu.dma_semaphore, #tpu.memory_space<semaphore_mem>>) src(%dma_wait3A_49 : memref<10240x768xf32, #tpu.memory_space<hbm>>) dst(%arg7 : memref<64x768xf32, #tpu.memory_space<vmem>>)
    %add3A_50 = arith.constant 128 : i32
    %add3A_51 = arith.addi %mul3A_2, %add3A_50 : i32
    %dma_start3A_52 = arith.constant 0 : i32
    %dma_start3A_53 = tpu.memref_slice %arg4[%add3A_51, %dma_start3A_52] : memref<8192x768xf32, #tpu.memory_space<hbm>> -> memref<64x768xf32, #tpu.memory_space<hbm>>
    %dma_start3A_54 = arith.constant 0 : i32
    %dma_start3A_55 = tpu.memref_slice %arg4[%add3A_51, %dma_start3A_54] : memref<8192x768xf32, #tpu.memory_space<hbm>> -> memref<64x768xf32, #tpu.memory_space<hbm>>
    tpu.enqueue_dma source(%arg7 : memref<64x768xf32, #tpu.memory_space<vmem>>) target(%dma_start3A_55 : memref<64x768xf32, #tpu.memory_space<hbm>>) target_semaphore(%arg11 : memref<!tpu.dma_semaphore, #tpu.memory_space<semaphore_mem>>)
    %dma_wait3A_56 = arith.constant 0 : i32
    %dma_wait3A_57 = arith.constant 0 : i32
    %dma_wait3A_58 = tpu.memref_slice %arg3[%dma_wait3A_56, %dma_wait3A_57] : memref<10240x768xf32, #tpu.memory_space<hbm>> -> memref<10240x768xf32, #tpu.memory_space<hbm>>
    tpu.wait_indirect_dma semaphore(%arg10 : memref<!tpu.dma_semaphore, #tpu.memory_space<semaphore_mem>>) src(%dma_wait3A_58 : memref<10240x768xf32, #tpu.memory_space<hbm>>) dst(%arg8 : memref<64x768xf32, #tpu.memory_space<vmem>>)
    %add3A_59 = arith.constant 192 : i32
    %add3A_60 = arith.addi %mul3A_2, %add3A_59 : i32
    %dma_start3A_61 = arith.constant 0 : i32
    %dma_start3A_62 = tpu.memref_slice %arg4[%add3A_60, %dma_start3A_61] : memref<8192x768xf32, #tpu.memory_space<hbm>> -> memref<64x768xf32, #tpu.memory_space<hbm>>
    %dma_start3A_63 = arith.constant 0 : i32
    %dma_start3A_64 = tpu.memref_slice %arg4[%add3A_60, %dma_start3A_63] : memref<8192x768xf32, #tpu.memory_space<hbm>> -> memref<64x768xf32, #tpu.memory_space<hbm>>
    tpu.enqueue_dma source(%arg8 : memref<64x768xf32, #tpu.memory_space<vmem>>) target(%dma_start3A_64 : memref<64x768xf32, #tpu.memory_space<hbm>>) target_semaphore(%arg12 : memref<!tpu.dma_semaphore, #tpu.memory_space<semaphore_mem>>)
    %dma_wait3A_65 = arith.constant 0 : i32
    %dma_wait3A_66 = tpu.memref_slice %arg4[%add3A_60, %dma_wait3A_65] : memref<8192x768xf32, #tpu.memory_space<hbm>> -> memref<64x768xf32, #tpu.memory_space<hbm>>
    %dma_wait3A_67 = arith.constant 0 : i32
    %dma_wait3A_68 = tpu.memref_slice %arg4[%add3A_60, %dma_wait3A_67] : memref<8192x768xf32, #tpu.memory_space<hbm>> -> memref<64x768xf32, #tpu.memory_space<hbm>>
    tpu.wait_dma2 semaphore(%arg12 : memref<!tpu.dma_semaphore, #tpu.memory_space<semaphore_mem>>) src(%arg8 : memref<64x768xf32, #tpu.memory_space<vmem>>) dst(%dma_wait3A_68 : memref<64x768xf32, #tpu.memory_space<hbm>>)
    %dma_wait3A_69 = arith.constant 0 : i32
    %dma_wait3A_70 = tpu.memref_slice %arg4[%add3A_51, %dma_wait3A_69] : memref<8192x768xf32, #tpu.memory_space<hbm>> -> memref<64x768xf32, #tpu.memory_space<hbm>>
    %dma_wait3A_71 = arith.constant 0 : i32
    %dma_wait3A_72 = tpu.memref_slice %arg4[%add3A_51, %dma_wait3A_71] : memref<8192x768xf32, #tpu.memory_space<hbm>> -> memref<64x768xf32, #tpu.memory_space<hbm>>
    tpu.wait_dma2 semaphore(%arg11 : memref<!tpu.dma_semaphore, #tpu.memory_space<semaphore_mem>>) src(%arg7 : memref<64x768xf32, #tpu.memory_space<vmem>>) dst(%dma_wait3A_72 : memref<64x768xf32, #tpu.memory_space<hbm>>)
    return
  }
}

module attributes {stable_mosaic.version = 14 : i64} {
  func.func @_router_body(%arg0: i32, %arg1: memref<512x768xf32, #tpu.memory_space<vmem>>, %arg2: memref<768x64xf32, #tpu.memory_space<vmem>>, %arg3: memref<512x512xf32, #tpu.memory_space<vmem>>, %arg4: memref<512x64xi32, #tpu.memory_space<vmem>>, %arg5: memref<512x160xf32, #tpu.memory_space<vmem>>, %arg6: memref<64x160xi32, #tpu.memory_space<vmem>>, %arg7: memref<512x1xf32, #tpu.memory_space<vmem>>, %arg8: memref<512x64xf32, #tpu.memory_space<vmem>>, %arg9: memref<512x2xi32, #tpu.memory_space<vmem>>, %arg10: memref<512x1xi32, #tpu.memory_space<vmem>>, %arg11: memref<512x1xi32, #tpu.memory_space<vmem>>, %arg12: memref<512x1xf32, #tpu.memory_space<vmem>>, %arg13: memref<512x1xf32, #tpu.memory_space<vmem>>, %arg14: memref<64x160xi32, #tpu.memory_space<vmem>>, %arg15: memref<1x1xf32, #tpu.memory_space<vmem>>, %arg16: memref<1x64xf32, #tpu.memory_space<vmem>>, %arg17: memref<1x64xf32, #tpu.memory_space<vmem>>, %arg18: memref<64x160xf32, #tpu.memory_space<vmem>>) attributes {dimension_semantics = [#tpu.dimension_semantics<arbitrary>], iteration_bounds = array<i64: 8>, scalar_prefetch = 0 : i64, scratch_operands = 3 : i64, tpu.core_type = #tpu.core_type<tc>, window_params = [{transform_indices = @transform_0, window_bounds = array<i64: 512, 768>}, {pipeline_mode = #tpu.pipeline_mode<synchronous>, transform_indices = @transform_1, window_bounds = array<i64: 768, 64>}, {pipeline_mode = #tpu.pipeline_mode<synchronous>, transform_indices = @transform_2, window_bounds = array<i64: 512, 512>}, {pipeline_mode = #tpu.pipeline_mode<synchronous>, transform_indices = @transform_3, window_bounds = array<i64: 512, 64>}, {pipeline_mode = #tpu.pipeline_mode<synchronous>, transform_indices = @transform_4, window_bounds = array<i64: 512, 160>}, {pipeline_mode = #tpu.pipeline_mode<synchronous>, transform_indices = @transform_5, window_bounds = array<i64: 64, 160>}, {pipeline_mode = #tpu.pipeline_mode<synchronous>, transform_indices = @transform_6, window_bounds = array<i64: 512, 1>}, {transform_indices = @transform_7, window_bounds = array<i64: 512, 64>}, {transform_indices = @transform_8, window_bounds = array<i64: 512, 2>}, {transform_indices = @transform_9, window_bounds = array<i64: 512, 1>}, {transform_indices = @transform_10, window_bounds = array<i64: 512, 1>}, {transform_indices = @transform_11, window_bounds = array<i64: 512, 1>}, {transform_indices = @transform_12, window_bounds = array<i64: 512, 1>}, {pipeline_mode = #tpu.pipeline_mode<synchronous>, transform_indices = @transform_13, window_bounds = array<i64: 64, 160>}, {pipeline_mode = #tpu.pipeline_mode<synchronous>, transform_indices = @transform_14, window_bounds = array<i64: 1, 1>}]} {
    %eq3A = arith.constant 0 : i32
    %eq3A_0 = arith.cmpi eq, %arg0, %eq3A : i32
    %convert_element_type3A = arith.extui %eq3A_0 : i1 to i32
    %cond3A = arith.constant 0 : i32
    %cond3A_1 = arith.cmpi ne, %convert_element_type3A, %cond3A : i32
    scf.if %cond3A_1 {
      %broadcast_in_dim3A_207 = arith.constant 0.000000e+00 : f32
      %broadcast_in_dim3A_208 = vector.broadcast %broadcast_in_dim3A_207 : f32 to vector<1x64xf32>
      %swap3A_209 = arith.constant 0 : index
      %swap3A_210 = arith.constant 0 : index
      %swap3A_211 = vector.load %arg16[%swap3A_209, %swap3A_210] : memref<1x64xf32, #tpu.memory_space<vmem>>, vector<1x64xf32>
      tpu.vector_store %arg16[%swap3A_209, %swap3A_210], %broadcast_in_dim3A_208 {strides = array<i32>} : memref<1x64xf32, #tpu.memory_space<vmem>>, vector<1x64xf32>,
      %broadcast_in_dim3A_212 = arith.constant 0.000000e+00 : f32
      %broadcast_in_dim3A_213 = vector.broadcast %broadcast_in_dim3A_212 : f32 to vector<1x64xf32>
      %swap3A_214 = arith.constant 0 : index
      %swap3A_215 = arith.constant 0 : index
      %swap3A_216 = vector.load %arg17[%swap3A_214, %swap3A_215] : memref<1x64xf32, #tpu.memory_space<vmem>>, vector<1x64xf32>
      tpu.vector_store %arg17[%swap3A_214, %swap3A_215], %broadcast_in_dim3A_213 {strides = array<i32>} : memref<1x64xf32, #tpu.memory_space<vmem>>, vector<1x64xf32>,
      %broadcast_in_dim3A_217 = arith.constant 0.000000e+00 : f32
      %broadcast_in_dim3A_218 = vector.broadcast %broadcast_in_dim3A_217 : f32 to vector<64x160xf32>
      %swap3A_219 = arith.constant 0 : index
      %swap3A_220 = arith.constant 0 : index
      %swap3A_221 = vector.load %arg18[%swap3A_219, %swap3A_220] : memref<64x160xf32, #tpu.memory_space<vmem>>, vector<64x160xf32>
      tpu.vector_store %arg18[%swap3A_219, %swap3A_220], %broadcast_in_dim3A_218 {strides = array<i32>} : memref<64x160xf32, #tpu.memory_space<vmem>>, vector<64x160xf32>,
    } else {
    }
    %get3A = arith.constant 0 : index
    %get3A_2 = arith.constant 0 : index
    %get3A_3 = vector.load %arg1[%get3A, %get3A_2] : memref<512x768xf32, #tpu.memory_space<vmem>>, vector<512x768xf32>
    %get3A_4 = arith.constant 0 : index
    %get3A_5 = arith.constant 0 : index
    %get3A_6 = vector.load %arg2[%get3A_4, %get3A_5] : memref<768x64xf32, #tpu.memory_space<vmem>>, vector<768x64xf32>
    %dot_general3A = arith.constant dense<0.000000e+00> : vector<512x64xf32>
    %dot_general3A_7 = tpu.matmul %get3A_3, %get3A_6, %dot_general3A {dimension_numbers = #tpu.dot_dimension_numbers<[1], [0], [0], [1], [0, 0, 1, 1], [], []>, transpose_lhs_hint = false} : vector<512x768xf32>, vector<768x64xf32>, vector<512x64xf32> -> vector<512x64xf32>
    %swap3A = arith.constant 0 : index
    %swap3A_8 = arith.constant 0 : index
    %swap3A_9 = vector.load %arg8[%swap3A, %swap3A_8] : memref<512x64xf32, #tpu.memory_space<vmem>>, vector<512x64xf32>
    tpu.vector_store %arg8[%swap3A, %swap3A_8], %dot_general3A_7 {strides = array<i32>} : memref<512x64xf32, #tpu.memory_space<vmem>>, vector<512x64xf32>,
    %reduce_max3A = arith.constant dense<0xFF800000> : vector<512xf32>
    %reduce_max3A_10 = vector.multi_reduction <maximumf>, %dot_general3A_7, %reduce_max3A [1] : vector<512x64xf32> to vector<512xf32>
    %broadcast_in_dim3A = vector.shape_cast %reduce_max3A_10 : vector<512xf32> to vector<512x1xf32>
    %sub3A = vector.broadcast %broadcast_in_dim3A : vector<512x1xf32> to vector<512x64xf32>
    %sub3A_11 = arith.subf %dot_general3A_7, %sub3A : vector<512x64xf32>
    %exp3A = math.exp %sub3A_11 : vector<512x64xf32>
    %reduce_sum3A = arith.constant dense<0.000000e+00> : vector<512xf32>
    %reduce_sum3A_12 = vector.multi_reduction <add>, %exp3A, %reduce_sum3A [1] : vector<512x64xf32> to vector<512xf32>
    %broadcast_in_dim3A_13 = vector.shape_cast %reduce_sum3A_12 : vector<512xf32> to vector<512x1xf32>
    %div3A = vector.broadcast %broadcast_in_dim3A_13 : vector<512x1xf32> to vector<512x64xf32>
    %div3A_14 = arith.divf %exp3A, %div3A : vector<512x64xf32>
    %get3A_15 = arith.constant 0 : index
    %get3A_16 = arith.constant 0 : index
    %get3A_17 = vector.load %arg17[%get3A_15, %get3A_16] : memref<1x64xf32, #tpu.memory_space<vmem>>, vector<1x64xf32>
    %reduce_sum3A_18 = arith.constant dense<0.000000e+00> : vector<64xf32>
    %reduce_sum3A_19 = vector.multi_reduction <add>, %div3A_14, %reduce_sum3A_18 [0] : vector<512x64xf32> to vector<64xf32>
    %broadcast_in_dim3A_20 = vector.shape_cast %reduce_sum3A_19 : vector<64xf32> to vector<1x64xf32>
    %add3A = arith.addf %get3A_17, %broadcast_in_dim3A_20 : vector<1x64xf32>
    %swap3A_21 = arith.constant 0 : index
    %swap3A_22 = arith.constant 0 : index
    %swap3A_23 = vector.load %arg17[%swap3A_21, %swap3A_22] : memref<1x64xf32, #tpu.memory_space<vmem>>, vector<1x64xf32>
    tpu.vector_store %arg17[%swap3A_21, %swap3A_22], %add3A {strides = array<i32>} : memref<1x64xf32, #tpu.memory_space<vmem>>, vector<1x64xf32>,
    %argmax3A = tpu.reduce_index %dot_general3A_7 {axis = 1 : i32, kind = #tpu.reduction_kind<arg_max>} : vector<512x64xf32> -> vector<512xi32>
    %get3A_24 = arith.constant 0 : index
    %get3A_25 = arith.constant 0 : index
    %get3A_26 = vector.load %arg4[%get3A_24, %get3A_25] : memref<512x64xi32, #tpu.memory_space<vmem>>, vector<512x64xi32>
    %broadcast_in_dim3A_27 = vector.shape_cast %argmax3A : vector<512xi32> to vector<512x1xi32>
    %eq3A_28 = vector.broadcast %broadcast_in_dim3A_27 : vector<512x1xi32> to vector<512x64xi32>
    %eq3A_29 = arith.cmpi eq, %get3A_26, %eq3A_28 : vector<512x64xi32>
    %jit3A = arith.constant 0xFF800000 : f32
    %broadcast_in_dim3A_30 = vector.broadcast %jit3A : f32 to vector<512x64xf32>
    %select_n3A = arith.select %eq3A_29, %broadcast_in_dim3A_30, %dot_general3A_7 : vector<512x64xi1>, vector<512x64xf32>
    %argmax3A_31 = tpu.reduce_index %select_n3A {axis = 1 : i32, kind = #tpu.reduction_kind<arg_max>} : vector<512x64xf32> -> vector<512xi32>
    %reduce_max3A_32 = arith.constant dense<0xFF800000> : vector<512xf32>
    %reduce_max3A_33 = vector.multi_reduction <maximumf>, %dot_general3A_7, %reduce_max3A_32 [1] : vector<512x64xf32> to vector<512xf32>
    %reduce_max3A_34 = arith.constant dense<0xFF800000> : vector<512xf32>
    %reduce_max3A_35 = vector.multi_reduction <maximumf>, %select_n3A, %reduce_max3A_34 [1] : vector<512x64xf32> to vector<512xf32>
    %broadcast_in_dim3A_36 = vector.shape_cast %argmax3A : vector<512xi32> to vector<512x1xi32>
    %broadcast_in_dim3A_37 = vector.shape_cast %argmax3A_31 : vector<512xi32> to vector<512x1xi32>
    %concatenate3A = tpu.concatenate %broadcast_in_dim3A_36, %broadcast_in_dim3A_37 in 1 : vector<512x1xi32>, vector<512x1xi32> -> vector<512x2xi32>
    %swap3A_38 = arith.constant 0 : index
    %swap3A_39 = arith.constant 0 : index
    %swap3A_40 = vector.load %arg9[%swap3A_38, %swap3A_39] : memref<512x2xi32, #tpu.memory_space<vmem>>, vector<512x2xi32>
    tpu.vector_store %arg9[%swap3A_38, %swap3A_39], %concatenate3A {strides = array<i32>} : memref<512x2xi32, #tpu.memory_space<vmem>>, vector<512x2xi32>,
    %sub3A_41 = arith.subf %reduce_max3A_35, %reduce_max3A_33 : vector<512xf32>
    %exp3A_42 = math.exp %sub3A_41 : vector<512xf32>
    %add3A_43 = arith.constant 1.000000e+00 : f32
    %add3A_44 = vector.broadcast %add3A_43 : f32 to vector<512xf32>
    %add3A_45 = arith.addf %add3A_44, %exp3A_42 : vector<512xf32>
    %div3A_46 = arith.constant 1.000000e+00 : f32
    %div3A_47 = vector.broadcast %div3A_46 : f32 to vector<512xf32>
    %div3A_48 = arith.divf %div3A_47, %add3A_45 : vector<512xf32>
    %add3A_49 = arith.constant 1.000000e+00 : f32
    %add3A_50 = vector.broadcast %add3A_49 : f32 to vector<512xf32>
    %add3A_51 = arith.addf %add3A_50, %exp3A_42 : vector<512xf32>
    %div3A_52 = arith.divf %exp3A_42, %add3A_51 : vector<512xf32>
    %convert_element_type3A_53 = arith.extui %eq3A_29 : vector<512x64xi1> to vector<512x64xi32>
    %convert_element_type3A_54 = arith.sitofp %convert_element_type3A_53 : vector<512x64xi32> to vector<512x64xf32>
    %broadcast_in_dim3A_55 = vector.shape_cast %argmax3A_31 : vector<512xi32> to vector<512x1xi32>
    %eq3A_56 = vector.broadcast %broadcast_in_dim3A_55 : vector<512x1xi32> to vector<512x64xi32>
    %eq3A_57 = arith.cmpi eq, %get3A_26, %eq3A_56 : vector<512x64xi32>
    %convert_element_type3A_58 = arith.extui %eq3A_57 : vector<512x64xi1> to vector<512x64xi32>
    %convert_element_type3A_59 = arith.sitofp %convert_element_type3A_58 : vector<512x64xi32> to vector<512x64xf32>
    %add3A_60 = arith.addf %convert_element_type3A_54, %convert_element_type3A_59 : vector<512x64xf32>
    %get3A_61 = arith.constant 0 : index
    %get3A_62 = arith.constant 0 : index
    %get3A_63 = vector.load %arg3[%get3A_61, %get3A_62] : memref<512x512xf32, #tpu.memory_space<vmem>>, vector<512x512xf32>
    %dot_general3A_64 = arith.constant dense<0.000000e+00> : vector<512x64xf32>
    %dot_general3A_65 = tpu.matmul %get3A_63, %add3A_60, %dot_general3A_64 {dimension_numbers = #tpu.dot_dimension_numbers<[1], [0], [0], [1], [0, 0, 1, 1], [], []>, transpose_lhs_hint = false} : vector<512x512xf32>, vector<512x64xf32>, vector<512x64xf32> -> vector<512x64xf32>
    %get3A_66 = arith.constant 0 : index
    %get3A_67 = arith.constant 0 : index
    %get3A_68 = vector.load %arg16[%get3A_66, %get3A_67] : memref<1x64xf32, #tpu.memory_space<vmem>>, vector<1x64xf32>
    %add3A_69 = vector.broadcast %get3A_68 : vector<1x64xf32> to vector<512x64xf32>
    %add3A_70 = arith.addf %add3A_69, %dot_general3A_65 : vector<512x64xf32>
    %mul3A = arith.mulf %add3A_70, %convert_element_type3A_54 : vector<512x64xf32>
    %reduce_sum3A_71 = arith.constant dense<0.000000e+00> : vector<512xf32>
    %reduce_sum3A_72 = vector.multi_reduction <add>, %mul3A, %reduce_sum3A_71 [1] : vector<512x64xf32> to vector<512xf32>
    %mul3A_73 = arith.mulf %add3A_70, %convert_element_type3A_59 : vector<512x64xf32>
    %reduce_sum3A_74 = arith.constant dense<0.000000e+00> : vector<512xf32>
    %reduce_sum3A_75 = vector.multi_reduction <add>, %mul3A_73, %reduce_sum3A_74 [1] : vector<512x64xf32> to vector<512xf32>
    %get3A_76 = arith.constant 0 : index
    %get3A_77 = arith.constant 0 : index
    %get3A_78 = vector.load %arg16[%get3A_76, %get3A_77] : memref<1x64xf32, #tpu.memory_space<vmem>>, vector<1x64xf32>
    %reduce_sum3A_79 = arith.constant dense<0.000000e+00> : vector<64xf32>
    %reduce_sum3A_80 = vector.multi_reduction <add>, %add3A_60, %reduce_sum3A_79 [0] : vector<512x64xf32> to vector<64xf32>
    %broadcast_in_dim3A_81 = vector.shape_cast %reduce_sum3A_80 : vector<64xf32> to vector<1x64xf32>
    %add3A_82 = arith.addf %get3A_78, %broadcast_in_dim3A_81 : vector<1x64xf32>
    %swap3A_83 = arith.constant 0 : index
    %swap3A_84 = arith.constant 0 : index
    %swap3A_85 = vector.load %arg16[%swap3A_83, %swap3A_84] : memref<1x64xf32, #tpu.memory_space<vmem>>, vector<1x64xf32>
    tpu.vector_store %arg16[%swap3A_83, %swap3A_84], %add3A_82 {strides = array<i32>} : memref<1x64xf32, #tpu.memory_space<vmem>>, vector<1x64xf32>,
    %lt3A = arith.constant 1.600000e+02 : f32
    %lt3A_86 = vector.broadcast %lt3A : f32 to vector<512xf32>
    %lt3A_87 = arith.cmpf olt, %reduce_sum3A_72, %lt3A_86 : vector<512xf32>
    %lt3A_88 = arith.constant 1.600000e+02 : f32
    %lt3A_89 = vector.broadcast %lt3A_88 : f32 to vector<512xf32>
    %lt3A_90 = arith.cmpf olt, %reduce_sum3A_75, %lt3A_89 : vector<512xf32>
    %jit3A_91 = arith.constant 0.000000e+00 : f32
    %broadcast_in_dim3A_92 = vector.broadcast %jit3A_91 : f32 to vector<512xf32>
    %select_n3A_93 = arith.select %lt3A_87, %reduce_sum3A_72, %broadcast_in_dim3A_92 : vector<512xi1>, vector<512xf32>
    %jit3A_94 = arith.constant 0.000000e+00 : f32
    %broadcast_in_dim3A_95 = vector.broadcast %jit3A_94 : f32 to vector<512xf32>
    %select_n3A_96 = arith.select %lt3A_90, %reduce_sum3A_75, %broadcast_in_dim3A_95 : vector<512xi1>, vector<512xf32>
    %mul3A_97 = arith.constant 160 : i32
    %mul3A_98 = vector.broadcast %mul3A_97 : i32 to vector<512xi32>
    %mul3A_99 = arith.muli %argmax3A, %mul3A_98 : vector<512xi32>
    %convert_element_type3A_100 = arith.fptosi %select_n3A_93 : vector<512xf32> to vector<512xi32>
    %add3A_101 = arith.addi %mul3A_99, %convert_element_type3A_100 : vector<512xi32>
    %broadcast_in_dim3A_102 = vector.shape_cast %add3A_101 : vector<512xi32> to vector<512x1xi32>
    %swap3A_103 = arith.constant 0 : index
    %swap3A_104 = arith.constant 0 : index
    %swap3A_105 = vector.load %arg10[%swap3A_103, %swap3A_104] : memref<512x1xi32, #tpu.memory_space<vmem>>, vector<512x1xi32>
    tpu.vector_store %arg10[%swap3A_103, %swap3A_104], %broadcast_in_dim3A_102 {strides = array<i32>} : memref<512x1xi32, #tpu.memory_space<vmem>>, vector<512x1xi32>,
    %mul3A_106 = arith.constant 160 : i32
    %mul3A_107 = vector.broadcast %mul3A_106 : i32 to vector<512xi32>
    %mul3A_108 = arith.muli %argmax3A_31, %mul3A_107 : vector<512xi32>
    %convert_element_type3A_109 = arith.fptosi %select_n3A_96 : vector<512xf32> to vector<512xi32>
    %add3A_110 = arith.addi %mul3A_108, %convert_element_type3A_109 : vector<512xi32>
    %broadcast_in_dim3A_111 = vector.shape_cast %add3A_110 : vector<512xi32> to vector<512x1xi32>
    %swap3A_112 = arith.constant 0 : index
    %swap3A_113 = arith.constant 0 : index
    %swap3A_114 = vector.load %arg11[%swap3A_112, %swap3A_113] : memref<512x1xi32, #tpu.memory_space<vmem>>, vector<512x1xi32>
    tpu.vector_store %arg11[%swap3A_112, %swap3A_113], %broadcast_in_dim3A_111 {strides = array<i32>} : memref<512x1xi32, #tpu.memory_space<vmem>>, vector<512x1xi32>,
    %jit3A_115 = arith.constant 0.000000e+00 : f32
    %broadcast_in_dim3A_116 = vector.broadcast %jit3A_115 : f32 to vector<512xf32>
    %select_n3A_117 = arith.select %lt3A_87, %div3A_48, %broadcast_in_dim3A_116 : vector<512xi1>, vector<512xf32>
    %broadcast_in_dim3A_118 = vector.shape_cast %select_n3A_117 : vector<512xf32> to vector<512x1xf32>
    %swap3A_119 = arith.constant 0 : index
    %swap3A_120 = arith.constant 0 : index
    %swap3A_121 = vector.load %arg12[%swap3A_119, %swap3A_120] : memref<512x1xf32, #tpu.memory_space<vmem>>, vector<512x1xf32>
    tpu.vector_store %arg12[%swap3A_119, %swap3A_120], %broadcast_in_dim3A_118 {strides = array<i32>} : memref<512x1xf32, #tpu.memory_space<vmem>>, vector<512x1xf32>,
    %jit3A_122 = arith.constant 0.000000e+00 : f32
    %broadcast_in_dim3A_123 = vector.broadcast %jit3A_122 : f32 to vector<512xf32>
    %select_n3A_124 = arith.select %lt3A_90, %div3A_52, %broadcast_in_dim3A_123 : vector<512xi1>, vector<512xf32>
    %broadcast_in_dim3A_125 = vector.shape_cast %select_n3A_124 : vector<512xf32> to vector<512x1xf32>
    %swap3A_126 = arith.constant 0 : index
    %swap3A_127 = arith.constant 0 : index
    %swap3A_128 = vector.load %arg13[%swap3A_126, %swap3A_127] : memref<512x1xf32, #tpu.memory_space<vmem>>, vector<512x1xf32>
    tpu.vector_store %arg13[%swap3A_126, %swap3A_127], %broadcast_in_dim3A_125 {strides = array<i32>} : memref<512x1xf32, #tpu.memory_space<vmem>>, vector<512x1xf32>,
    %get3A_129 = arith.constant 0 : index
    %get3A_130 = arith.constant 0 : index
    %get3A_131 = vector.load %arg5[%get3A_129, %get3A_130] : memref<512x160xf32, #tpu.memory_space<vmem>>, vector<512x160xf32>
    %broadcast_in_dim3A_132 = vector.shape_cast %reduce_sum3A_72 : vector<512xf32> to vector<512x1xf32>
    %eq3A_133 = vector.broadcast %broadcast_in_dim3A_132 : vector<512x1xf32> to vector<512x160xf32>
    %eq3A_134 = arith.cmpf oeq, %eq3A_133, %get3A_131 : vector<512x160xf32>
    %convert_element_type3A_135 = arith.extui %eq3A_134 : vector<512x160xi1> to vector<512x160xi32>
    %convert_element_type3A_136 = arith.sitofp %convert_element_type3A_135 : vector<512x160xi32> to vector<512x160xf32>
    %broadcast_in_dim3A_137 = vector.shape_cast %reduce_sum3A_75 : vector<512xf32> to vector<512x1xf32>
    %eq3A_138 = vector.broadcast %broadcast_in_dim3A_137 : vector<512x1xf32> to vector<512x160xf32>
    %eq3A_139 = arith.cmpf oeq, %eq3A_138, %get3A_131 : vector<512x160xf32>
    %convert_element_type3A_140 = arith.extui %eq3A_139 : vector<512x160xi1> to vector<512x160xi32>
    %convert_element_type3A_141 = arith.sitofp %convert_element_type3A_140 : vector<512x160xi32> to vector<512x160xf32>
    %mul3A_142 = arith.constant 512 : i32
    %mul3A_143 = arith.muli %arg0, %mul3A_142 : i32
    %add3A_144 = arith.constant 1 : i32
    %add3A_145 = arith.addi %mul3A_143, %add3A_144 : i32
    %convert_element_type3A_146 = arith.sitofp %add3A_145 : i32 to f32
    %get3A_147 = arith.constant 0 : index
    %get3A_148 = arith.constant 0 : index
    %get3A_149 = vector.load %arg7[%get3A_147, %get3A_148] : memref<512x1xf32, #tpu.memory_space<vmem>>, vector<512x1xf32>
    %add3A_150 = vector.broadcast %convert_element_type3A_146 : f32 to vector<512x1xf32>
    %add3A_151 = arith.addf %add3A_150, %get3A_149 : vector<512x1xf32>
    %get3A_152 = arith.constant 0 : index
    %get3A_153 = arith.constant 0 : index
    %get3A_154 = vector.load %arg18[%get3A_152, %get3A_153] : memref<64x160xf32, #tpu.memory_space<vmem>>, vector<64x160xf32>
    %mul3A_155 = vector.broadcast %add3A_151 : vector<512x1xf32> to vector<512x160xf32>
    %mul3A_156 = arith.mulf %convert_element_type3A_136, %mul3A_155 : vector<512x160xf32>
    %dot_general3A_157 = arith.constant dense<0.000000e+00> : vector<64x160xf32>
    %dot_general3A_158 = tpu.matmul %convert_element_type3A_54, %mul3A_156, %dot_general3A_157 {dimension_numbers = #tpu.dot_dimension_numbers<[0], [0], [1], [1], [0, 1, 1, 1], [], []>, precision = #tpu.contract_precision<fp32>, transpose_lhs_hint = false} : vector<512x64xf32>, vector<512x160xf32>, vector<64x160xf32> -> vector<64x160xf32>
    %add3A_159 = arith.addf %get3A_154, %dot_general3A_158 : vector<64x160xf32>
    %swap3A_160 = arith.constant 0 : index
    %swap3A_161 = arith.constant 0 : index
    %swap3A_162 = vector.load %arg18[%swap3A_160, %swap3A_161] : memref<64x160xf32, #tpu.memory_space<vmem>>, vector<64x160xf32>
    tpu.vector_store %arg18[%swap3A_160, %swap3A_161], %add3A_159 {strides = array<i32>} : memref<64x160xf32, #tpu.memory_space<vmem>>, vector<64x160xf32>,
    %get3A_163 = arith.constant 0 : index
    %get3A_164 = arith.constant 0 : index
    %get3A_165 = vector.load %arg18[%get3A_163, %get3A_164] : memref<64x160xf32, #tpu.memory_space<vmem>>, vector<64x160xf32>
    %mul3A_166 = vector.broadcast %add3A_151 : vector<512x1xf32> to vector<512x160xf32>
    %mul3A_167 = arith.mulf %convert_element_type3A_141, %mul3A_166 : vector<512x160xf32>
    %dot_general3A_168 = arith.constant dense<0.000000e+00> : vector<64x160xf32>
    %dot_general3A_169 = tpu.matmul %convert_element_type3A_59, %mul3A_167, %dot_general3A_168 {dimension_numbers = #tpu.dot_dimension_numbers<[0], [0], [1], [1], [0, 1, 1, 1], [], []>, precision = #tpu.contract_precision<fp32>, transpose_lhs_hint = false} : vector<512x64xf32>, vector<512x160xf32>, vector<64x160xf32> -> vector<64x160xf32>
    %add3A_170 = arith.addf %get3A_165, %dot_general3A_169 : vector<64x160xf32>
    %swap3A_171 = arith.constant 0 : index
    %swap3A_172 = arith.constant 0 : index
    %swap3A_173 = vector.load %arg18[%swap3A_171, %swap3A_172] : memref<64x160xf32, #tpu.memory_space<vmem>>, vector<64x160xf32>
    tpu.vector_store %arg18[%swap3A_171, %swap3A_172], %add3A_170 {strides = array<i32>} : memref<64x160xf32, #tpu.memory_space<vmem>>, vector<64x160xf32>,
    %get3A_174 = arith.constant 0 : index
    %get3A_175 = arith.constant 0 : index
    %get3A_176 = vector.load %arg18[%get3A_174, %get3A_175] : memref<64x160xf32, #tpu.memory_space<vmem>>, vector<64x160xf32>
    %gt3A = arith.constant 5.000000e-01 : f32
    %gt3A_177 = vector.broadcast %gt3A : f32 to vector<64x160xf32>
    %gt3A_178 = arith.cmpf ogt, %get3A_176, %gt3A_177 : vector<64x160xf32>
    %convert_element_type3A_179 = arith.fptosi %get3A_176 : vector<64x160xf32> to vector<64x160xi32>
    %sub3A_180 = arith.constant 1 : i32
    %sub3A_181 = vector.broadcast %sub3A_180 : i32 to vector<64x160xi32>
    %sub3A_182 = arith.subi %convert_element_type3A_179, %sub3A_181 : vector<64x160xi32>
    %get3A_183 = arith.constant 0 : index
    %get3A_184 = arith.constant 0 : index
    %get3A_185 = vector.load %arg6[%get3A_183, %get3A_184] : memref<64x160xi32, #tpu.memory_space<vmem>>, vector<64x160xi32>
    %select_n3A_186 = arith.select %gt3A_178, %sub3A_182, %get3A_185 : vector<64x160xi1>, vector<64x160xi32>
    %swap3A_187 = arith.constant 0 : index
    %swap3A_188 = arith.constant 0 : index
    %swap3A_189 = vector.load %arg14[%swap3A_187, %swap3A_188] : memref<64x160xi32, #tpu.memory_space<vmem>>, vector<64x160xi32>
    tpu.vector_store %arg14[%swap3A_187, %swap3A_188], %select_n3A_186 {strides = array<i32>} : memref<64x160xi32, #tpu.memory_space<vmem>>, vector<64x160xi32>,
    %get3A_190 = arith.constant 0 : index
    %get3A_191 = arith.constant 0 : index
    %get3A_192 = vector.load %arg16[%get3A_190, %get3A_191] : memref<1x64xf32, #tpu.memory_space<vmem>>, vector<1x64xf32>
    %get3A_193 = arith.constant 0 : index
    %get3A_194 = arith.constant 0 : index
    %get3A_195 = vector.load %arg17[%get3A_193, %get3A_194] : memref<1x64xf32, #tpu.memory_space<vmem>>, vector<1x64xf32>
    %mul3A_196 = arith.mulf %get3A_192, %get3A_195 : vector<1x64xf32>
    %reduce_sum3A_197 = vector.shape_cast %mul3A_196 : vector<1x64xf32> to vector<1x1x64xf32>
    %reduce_sum3A_198 = arith.constant dense<0.000000e+00> : vector<1xf32>
    %reduce_sum3A_199 = vector.multi_reduction <add>, %reduce_sum3A_197, %reduce_sum3A_198 [1, 2] : vector<1x1x64xf32> to vector<1xf32>
    %reduce_sum3A_200 = vector.shape_cast %reduce_sum3A_199 : vector<1xf32> to vector<1x1x1xf32>
    %reduce_sum3A_201 = vector.extract %reduce_sum3A_200[0, 0, 0] : f32 from vector<1x1x1xf32>
    %mul3A_202 = arith.constant 1.90734863E-6 : f32
    %mul3A_203 = arith.mulf %reduce_sum3A_201, %mul3A_202 : f32
    %reshape3A = vector.broadcast %mul3A_203 : f32 to vector<1x1xf32>
    %swap3A_204 = arith.constant 0 : index
    %swap3A_205 = arith.constant 0 : index
    %swap3A_206 = vector.load %arg15[%swap3A_204, %swap3A_205] : memref<1x1xf32, #tpu.memory_space<vmem>>, vector<1x1xf32>
    tpu.vector_store %arg15[%swap3A_204, %swap3A_205], %reshape3A {strides = array<i32>} : memref<1x1xf32, #tpu.memory_space<vmem>>, vector<1x1xf32>,
    return
  }
  func.func @transform_0(%arg0: i32) -> (i32, i32) {
    %c0_i32 = arith.constant 0 : i32
    %c0_i32_0 = arith.constant 0 : i32
    return %arg0, %c0_i32 : i32, i32
  }
  func.func @transform_1(%arg0: i32) -> (i32, i32) {
    %c0_i32 = arith.constant 0 : i32
    %c0_i32_0 = arith.constant 0 : i32
    %c0_i32_1 = arith.constant 0 : i32
    return %c0_i32, %c0_i32_0 : i32, i32
  }
  func.func @transform_2(%arg0: i32) -> (i32, i32) {
    %c0_i32 = arith.constant 0 : i32
    %c0_i32_0 = arith.constant 0 : i32
    %c0_i32_1 = arith.constant 0 : i32
    return %c0_i32, %c0_i32_0 : i32, i32
  }
  func.func @transform_3(%arg0: i32) -> (i32, i32) {
    %c0_i32 = arith.constant 0 : i32
    %c0_i32_0 = arith.constant 0 : i32
    %c0_i32_1 = arith.constant 0 : i32
    return %c0_i32, %c0_i32_0 : i32, i32
  }
  func.func @transform_4(%arg0: i32) -> (i32, i32) {
    %c0_i32 = arith.constant 0 : i32
    %c0_i32_0 = arith.constant 0 : i32
    %c0_i32_1 = arith.constant 0 : i32
    return %c0_i32, %c0_i32_0 : i32, i32
  }
  func.func @transform_5(%arg0: i32) -> (i32, i32) {
    %c0_i32 = arith.constant 0 : i32
    %c0_i32_0 = arith.constant 0 : i32
    %c0_i32_1 = arith.constant 0 : i32
    return %c0_i32, %c0_i32_0 : i32, i32
  }
  func.func @transform_6(%arg0: i32) -> (i32, i32) {
    %c0_i32 = arith.constant 0 : i32
    %c0_i32_0 = arith.constant 0 : i32
    %c0_i32_1 = arith.constant 0 : i32
    return %c0_i32, %c0_i32_0 : i32, i32
  }
  func.func @transform_7(%arg0: i32) -> (i32, i32) {
    %c0_i32 = arith.constant 0 : i32
    %c0_i32_0 = arith.constant 0 : i32
    return %arg0, %c0_i32 : i32, i32
  }
  func.func @transform_8(%arg0: i32) -> (i32, i32) {
    %c0_i32 = arith.constant 0 : i32
    %c0_i32_0 = arith.constant 0 : i32
    return %arg0, %c0_i32 : i32, i32
  }
  func.func @transform_9(%arg0: i32) -> (i32, i32) {
    %c0_i32 = arith.constant 0 : i32
    %c0_i32_0 = arith.constant 0 : i32
    return %arg0, %c0_i32 : i32, i32
  }
  func.func @transform_10(%arg0: i32) -> (i32, i32) {
    %c0_i32 = arith.constant 0 : i32
    %c0_i32_0 = arith.constant 0 : i32
    return %arg0, %c0_i32 : i32, i32
  }
  func.func @transform_11(%arg0: i32) -> (i32, i32) {
    %c0_i32 = arith.constant 0 : i32
    %c0_i32_0 = arith.constant 0 : i32
    return %arg0, %c0_i32 : i32, i32
  }
  func.func @transform_12(%arg0: i32) -> (i32, i32) {
    %c0_i32 = arith.constant 0 : i32
    %c0_i32_0 = arith.constant 0 : i32
    return %arg0, %c0_i32 : i32, i32
  }
  func.func @transform_13(%arg0: i32) -> (i32, i32) {
    %c0_i32 = arith.constant 0 : i32
    %c0_i32_0 = arith.constant 0 : i32
    %c0_i32_1 = arith.constant 0 : i32
    return %c0_i32, %c0_i32_0 : i32, i32
  }
  func.func @transform_14(%arg0: i32) -> (i32, i32) {
    %c0_i32 = arith.constant 0 : i32
    %c0_i32_0 = arith.constant 0 : i32
    %c0_i32_1 = arith.constant 0 : i32
    return %c0_i32, %c0_i32_0 : i32, i32
  }
}

module attributes {stable_mosaic.version = 14 : i64} {
  func.func @_ffn_body(%arg0: i32, %arg1: memref<2x160x768xf32, #tpu.memory_space<vmem>>, %arg2: memref<2x768x768xf32, #tpu.memory_space<vmem>>, %arg3: memref<2x1x768xf32, #tpu.memory_space<vmem>>, %arg4: memref<2x768x768xf32, #tpu.memory_space<vmem>>, %arg5: memref<2x1x768xf32, #tpu.memory_space<vmem>>, %arg6: memref<2x160x768xf32, #tpu.memory_space<vmem>>) attributes {dimension_semantics = [#tpu.dimension_semantics<parallel>], iteration_bounds = array<i64: 32>, scalar_prefetch = 0 : i64, scratch_operands = 0 : i64, tpu.core_type = #tpu.core_type<tc>, window_params = [{transform_indices = @transform_0, window_bounds = array<i64: 2, 160, 768>}, {transform_indices = @transform_1, window_bounds = array<i64: 2, 768, 768>}, {transform_indices = @transform_2, window_bounds = array<i64: 2, 1, 768>}, {transform_indices = @transform_3, window_bounds = array<i64: 2, 768, 768>}, {transform_indices = @transform_4, window_bounds = array<i64: 2, 1, 768>}, {transform_indices = @transform_5, window_bounds = array<i64: 2, 160, 768>}]} {
    %get3A = arith.constant 0 : index
    %get3A_0 = arith.constant 0 : index
    %get3A_1 = arith.constant 0 : index
    %get3A_2 = vector.load %arg1[%get3A, %get3A_0, %get3A_1] : memref<2x160x768xf32, #tpu.memory_space<vmem>>, vector<1x160x768xf32>
    %get3A_3 = vector.shape_cast %get3A_2 : vector<1x160x768xf32> to vector<160x768xf32>
    %convert_element_type3A = arith.truncf %get3A_3 : vector<160x768xf32> to vector<160x768xbf16>
    %get3A_4 = arith.constant 0 : index
    %get3A_5 = arith.constant 0 : index
    %get3A_6 = arith.constant 0 : index
    %get3A_7 = vector.load %arg2[%get3A_4, %get3A_5, %get3A_6] : memref<2x768x768xf32, #tpu.memory_space<vmem>>, vector<1x768x768xf32>
    %get3A_8 = vector.shape_cast %get3A_7 : vector<1x768x768xf32> to vector<768x768xf32>
    %convert_element_type3A_9 = arith.truncf %get3A_8 : vector<768x768xf32> to vector<768x768xbf16>
    %dot_general3A = arith.constant dense<0.000000e+00> : vector<160x768xf32>
    %dot_general3A_10 = tpu.matmul %convert_element_type3A, %convert_element_type3A_9, %dot_general3A {dimension_numbers = #tpu.dot_dimension_numbers<[1], [0], [0], [1], [0, 0, 1, 1], [], []>, transpose_lhs_hint = false} : vector<160x768xbf16>, vector<768x768xbf16>, vector<160x768xf32> -> vector<160x768xf32>
    %get3A_11 = arith.constant 0 : index
    %get3A_12 = arith.constant 0 : index
    %get3A_13 = arith.constant 0 : index
    %get3A_14 = vector.load %arg3[%get3A_11, %get3A_12, %get3A_13] : memref<2x1x768xf32, #tpu.memory_space<vmem>>, vector<1x1x768xf32>
    %get3A_15 = vector.shape_cast %get3A_14 : vector<1x1x768xf32> to vector<1x768xf32>
    %add3A = vector.broadcast %get3A_15 : vector<1x768xf32> to vector<160x768xf32>
    %add3A_16 = arith.addf %dot_general3A_10, %add3A : vector<160x768xf32>
    %max3A = arith.constant 0.000000e+00 : f32
    %max3A_17 = vector.broadcast %max3A : f32 to vector<160x768xf32>
    %max3A_18 = arith.maximumf %add3A_16, %max3A_17 : vector<160x768xf32>
    %convert_element_type3A_19 = arith.truncf %max3A_18 : vector<160x768xf32> to vector<160x768xbf16>
    %get3A_20 = arith.constant 0 : index
    %get3A_21 = arith.constant 0 : index
    %get3A_22 = arith.constant 0 : index
    %get3A_23 = vector.load %arg4[%get3A_20, %get3A_21, %get3A_22] : memref<2x768x768xf32, #tpu.memory_space<vmem>>, vector<1x768x768xf32>
    %get3A_24 = vector.shape_cast %get3A_23 : vector<1x768x768xf32> to vector<768x768xf32>
    %convert_element_type3A_25 = arith.truncf %get3A_24 : vector<768x768xf32> to vector<768x768xbf16>
    %dot_general3A_26 = arith.constant dense<0.000000e+00> : vector<160x768xf32>
    %dot_general3A_27 = tpu.matmul %convert_element_type3A_19, %convert_element_type3A_25, %dot_general3A_26 {dimension_numbers = #tpu.dot_dimension_numbers<[1], [0], [0], [1], [0, 0, 1, 1], [], []>, transpose_lhs_hint = false} : vector<160x768xbf16>, vector<768x768xbf16>, vector<160x768xf32> -> vector<160x768xf32>
    %get3A_28 = arith.constant 0 : index
    %get3A_29 = arith.constant 0 : index
    %get3A_30 = arith.constant 0 : index
    %get3A_31 = vector.load %arg5[%get3A_28, %get3A_29, %get3A_30] : memref<2x1x768xf32, #tpu.memory_space<vmem>>, vector<1x1x768xf32>
    %get3A_32 = vector.shape_cast %get3A_31 : vector<1x1x768xf32> to vector<1x768xf32>
    %add3A_33 = vector.broadcast %get3A_32 : vector<1x768xf32> to vector<160x768xf32>
    %add3A_34 = arith.addf %dot_general3A_27, %add3A_33 : vector<160x768xf32>
    %swap3A = arith.constant 0 : index
    %swap3A_35 = arith.constant 0 : index
    %swap3A_36 = arith.constant 0 : index
    %swap3A_37 = vector.load %arg6[%swap3A, %swap3A_35, %swap3A_36] : memref<2x160x768xf32, #tpu.memory_space<vmem>>, vector<1x160x768xf32>
    %swap3A_38 = vector.shape_cast %swap3A_37 : vector<1x160x768xf32> to vector<160x768xf32>
    %swap3A_39 = vector.shape_cast %add3A_34 : vector<160x768xf32> to vector<1x160x768xf32>
    tpu.vector_store %arg6[%swap3A, %swap3A_35, %swap3A_36], %swap3A_39 {strides = array<i32>} : memref<2x160x768xf32, #tpu.memory_space<vmem>>, vector<1x160x768xf32>,
    %get3A_40 = arith.constant 1 : index
    %get3A_41 = arith.constant 0 : index
    %get3A_42 = arith.constant 0 : index
    %get3A_43 = vector.load %arg1[%get3A_40, %get3A_41, %get3A_42] : memref<2x160x768xf32, #tpu.memory_space<vmem>>, vector<1x160x768xf32>
    %get3A_44 = vector.shape_cast %get3A_43 : vector<1x160x768xf32> to vector<160x768xf32>
    %convert_element_type3A_45 = arith.truncf %get3A_44 : vector<160x768xf32> to vector<160x768xbf16>
    %get3A_46 = arith.constant 1 : index
    %get3A_47 = arith.constant 0 : index
    %get3A_48 = arith.constant 0 : index
    %get3A_49 = vector.load %arg2[%get3A_46, %get3A_47, %get3A_48] : memref<2x768x768xf32, #tpu.memory_space<vmem>>, vector<1x768x768xf32>
    %get3A_50 = vector.shape_cast %get3A_49 : vector<1x768x768xf32> to vector<768x768xf32>
    %convert_element_type3A_51 = arith.truncf %get3A_50 : vector<768x768xf32> to vector<768x768xbf16>
    %dot_general3A_52 = arith.constant dense<0.000000e+00> : vector<160x768xf32>
    %dot_general3A_53 = tpu.matmul %convert_element_type3A_45, %convert_element_type3A_51, %dot_general3A_52 {dimension_numbers = #tpu.dot_dimension_numbers<[1], [0], [0], [1], [0, 0, 1, 1], [], []>, transpose_lhs_hint = false} : vector<160x768xbf16>, vector<768x768xbf16>, vector<160x768xf32> -> vector<160x768xf32>
    %get3A_54 = arith.constant 1 : index
    %get3A_55 = arith.constant 0 : index
    %get3A_56 = arith.constant 0 : index
    %get3A_57 = vector.load %arg3[%get3A_54, %get3A_55, %get3A_56] : memref<2x1x768xf32, #tpu.memory_space<vmem>>, vector<1x1x768xf32>
    %get3A_58 = vector.shape_cast %get3A_57 : vector<1x1x768xf32> to vector<1x768xf32>
    %add3A_59 = vector.broadcast %get3A_58 : vector<1x768xf32> to vector<160x768xf32>
    %add3A_60 = arith.addf %dot_general3A_53, %add3A_59 : vector<160x768xf32>
    %max3A_61 = arith.constant 0.000000e+00 : f32
    %max3A_62 = vector.broadcast %max3A_61 : f32 to vector<160x768xf32>
    %max3A_63 = arith.maximumf %add3A_60, %max3A_62 : vector<160x768xf32>
    %convert_element_type3A_64 = arith.truncf %max3A_63 : vector<160x768xf32> to vector<160x768xbf16>
    %get3A_65 = arith.constant 1 : index
    %get3A_66 = arith.constant 0 : index
    %get3A_67 = arith.constant 0 : index
    %get3A_68 = vector.load %arg4[%get3A_65, %get3A_66, %get3A_67] : memref<2x768x768xf32, #tpu.memory_space<vmem>>, vector<1x768x768xf32>
    %get3A_69 = vector.shape_cast %get3A_68 : vector<1x768x768xf32> to vector<768x768xf32>
    %convert_element_type3A_70 = arith.truncf %get3A_69 : vector<768x768xf32> to vector<768x768xbf16>
    %dot_general3A_71 = arith.constant dense<0.000000e+00> : vector<160x768xf32>
    %dot_general3A_72 = tpu.matmul %convert_element_type3A_64, %convert_element_type3A_70, %dot_general3A_71 {dimension_numbers = #tpu.dot_dimension_numbers<[1], [0], [0], [1], [0, 0, 1, 1], [], []>, transpose_lhs_hint = false} : vector<160x768xbf16>, vector<768x768xbf16>, vector<160x768xf32> -> vector<160x768xf32>
    %get3A_73 = arith.constant 1 : index
    %get3A_74 = arith.constant 0 : index
    %get3A_75 = arith.constant 0 : index
    %get3A_76 = vector.load %arg5[%get3A_73, %get3A_74, %get3A_75] : memref<2x1x768xf32, #tpu.memory_space<vmem>>, vector<1x1x768xf32>
    %get3A_77 = vector.shape_cast %get3A_76 : vector<1x1x768xf32> to vector<1x768xf32>
    %add3A_78 = vector.broadcast %get3A_77 : vector<1x768xf32> to vector<160x768xf32>
    %add3A_79 = arith.addf %dot_general3A_72, %add3A_78 : vector<160x768xf32>
    %swap3A_80 = arith.constant 1 : index
    %swap3A_81 = arith.constant 0 : index
    %swap3A_82 = arith.constant 0 : index
    %swap3A_83 = vector.load %arg6[%swap3A_80, %swap3A_81, %swap3A_82] : memref<2x160x768xf32, #tpu.memory_space<vmem>>, vector<1x160x768xf32>
    %swap3A_84 = vector.shape_cast %swap3A_83 : vector<1x160x768xf32> to vector<160x768xf32>
    %swap3A_85 = vector.shape_cast %add3A_79 : vector<160x768xf32> to vector<1x160x768xf32>
    tpu.vector_store %arg6[%swap3A_80, %swap3A_81, %swap3A_82], %swap3A_85 {strides = array<i32>} : memref<2x160x768xf32, #tpu.memory_space<vmem>>, vector<1x160x768xf32>,
    return
  }
  func.func @transform_0(%arg0: i32) -> (i32, i32, i32) {
    %c0_i32 = arith.constant 0 : i32
    %c0_i32_0 = arith.constant 0 : i32
    %c0_i32_1 = arith.constant 0 : i32
    return %arg0, %c0_i32, %c0_i32_0 : i32, i32, i32
  }
  func.func @transform_1(%arg0: i32) -> (i32, i32, i32) {
    %c0_i32 = arith.constant 0 : i32
    %c0_i32_0 = arith.constant 0 : i32
    %c0_i32_1 = arith.constant 0 : i32
    return %arg0, %c0_i32, %c0_i32_0 : i32, i32, i32
  }
  func.func @transform_2(%arg0: i32) -> (i32, i32, i32) {
    %c0_i32 = arith.constant 0 : i32
    %c0_i32_0 = arith.constant 0 : i32
    %c0_i32_1 = arith.constant 0 : i32
    return %arg0, %c0_i32, %c0_i32_0 : i32, i32, i32
  }
  func.func @transform_3(%arg0: i32) -> (i32, i32, i32) {
    %c0_i32 = arith.constant 0 : i32
    %c0_i32_0 = arith.constant 0 : i32
    %c0_i32_1 = arith.constant 0 : i32
    return %arg0, %c0_i32, %c0_i32_0 : i32, i32, i32
  }
  func.func @transform_4(%arg0: i32) -> (i32, i32, i32) {
    %c0_i32 = arith.constant 0 : i32
    %c0_i32_0 = arith.constant 0 : i32
    %c0_i32_1 = arith.constant 0 : i32
    return %arg0, %c0_i32, %c0_i32_0 : i32, i32, i32
  }
  func.func @transform_5(%arg0: i32) -> (i32, i32, i32) {
    %c0_i32 = arith.constant 0 : i32
    %c0_i32_0 = arith.constant 0 : i32
    %c0_i32_1 = arith.constant 0 : i32
    return %arg0, %c0_i32, %c0_i32_0 : i32, i32, i32
  }
}

module attributes {stable_mosaic.version = 14 : i64} {
  func.func @_combine_body(%arg0: i32, %arg1: memref<512x768xf32, #tpu.memory_space<vmem>>, %arg2: memref<512x768xf32, #tpu.memory_space<vmem>>, %arg3: memref<512x1xf32, #tpu.memory_space<vmem>>, %arg4: memref<512x1xf32, #tpu.memory_space<vmem>>, %arg5: memref<512x768xf32, #tpu.memory_space<vmem>>) attributes {dimension_semantics = [#tpu.dimension_semantics<arbitrary>], iteration_bounds = array<i64: 8>, scalar_prefetch = 0 : i64, scratch_operands = 0 : i64, tpu.core_type = #tpu.core_type<tc>, window_params = [{transform_indices = @transform_0, window_bounds = array<i64: 512, 768>}, {transform_indices = @transform_1, window_bounds = array<i64: 512, 768>}, {transform_indices = @transform_2, window_bounds = array<i64: 512, 1>}, {transform_indices = @transform_3, window_bounds = array<i64: 512, 1>}, {transform_indices = @transform_4, window_bounds = array<i64: 512, 768>}]} {
    %get3A = arith.constant 0 : index
    %get3A_0 = arith.constant 0 : index
    %get3A_1 = vector.load %arg1[%get3A, %get3A_0] : memref<512x768xf32, #tpu.memory_space<vmem>>, vector<512x768xf32>
    %get3A_2 = arith.constant 0 : index
    %get3A_3 = arith.constant 0 : index
    %get3A_4 = vector.load %arg3[%get3A_2, %get3A_3] : memref<512x1xf32, #tpu.memory_space<vmem>>, vector<512x1xf32>
    %mul3A = vector.broadcast %get3A_4 : vector<512x1xf32> to vector<512x768xf32>
    %mul3A_5 = arith.mulf %get3A_1, %mul3A : vector<512x768xf32>
    %get3A_6 = arith.constant 0 : index
    %get3A_7 = arith.constant 0 : index
    %get3A_8 = vector.load %arg2[%get3A_6, %get3A_7] : memref<512x768xf32, #tpu.memory_space<vmem>>, vector<512x768xf32>
    %get3A_9 = arith.constant 0 : index
    %get3A_10 = arith.constant 0 : index
    %get3A_11 = vector.load %arg4[%get3A_9, %get3A_10] : memref<512x1xf32, #tpu.memory_space<vmem>>, vector<512x1xf32>
    %mul3A_12 = vector.broadcast %get3A_11 : vector<512x1xf32> to vector<512x768xf32>
    %mul3A_13 = arith.mulf %get3A_8, %mul3A_12 : vector<512x768xf32>
    %add3A = arith.addf %mul3A_5, %mul3A_13 : vector<512x768xf32>
    %swap3A = arith.constant 0 : index
    %swap3A_14 = arith.constant 0 : index
    %swap3A_15 = vector.load %arg5[%swap3A, %swap3A_14] : memref<512x768xf32, #tpu.memory_space<vmem>>, vector<512x768xf32>
    tpu.vector_store %arg5[%swap3A, %swap3A_14], %add3A {strides = array<i32>} : memref<512x768xf32, #tpu.memory_space<vmem>>, vector<512x768xf32>,
    return
  }
  func.func @transform_0(%arg0: i32) -> (i32, i32) {
    %c0_i32 = arith.constant 0 : i32
    %c0_i32_0 = arith.constant 0 : i32
    return %arg0, %c0_i32 : i32, i32
  }
  func.func @transform_1(%arg0: i32) -> (i32, i32) {
    %add3A = arith.constant 8 : i32
    %add3A_0 = arith.addi %arg0, %add3A : i32
    %c0_i32 = arith.constant 0 : i32
    %c0_i32_1 = arith.constant 0 : i32
    return %add3A_0, %c0_i32 : i32, i32
  }
  func.func @transform_2(%arg0: i32) -> (i32, i32) {
    %c0_i32 = arith.constant 0 : i32
    %c0_i32_0 = arith.constant 0 : i32
    return %arg0, %c0_i32 : i32, i32
  }
  func.func @transform_3(%arg0: i32) -> (i32, i32) {
    %c0_i32 = arith.constant 0 : i32
    %c0_i32_0 = arith.constant 0 : i32
    return %arg0, %c0_i32 : i32, i32
  }
  func.func @transform_4(%arg0: i32) -> (i32, i32) {
    %c0_i32 = arith.constant 0 : i32
    %c0_i32_0 = arith.constant 0 : i32
    return %arg0, %c0_i32 : i32, i32
  }
}

</mosaic_0001>

<sc_bundles>
// kernel: kernel.10.cloned.1.call-start
scs
__scs_entry_jumppad:
0x0: {  	(pc) =	sbr.rel $0x88, $3  }
0x1: {  	(tag) =	ssettag $0x0;
	lr =	simm.s32 $0x1  }
0x2: {  	[smem:$0x3F9B] =	sst lr;
	_ =	strace $0xD0000000  }
0x3: {  	_ = 	snop  }
0x4: {  	_ = 	snop  }
0x5: {  	_ = 	snop  }
0x6: {  	_ = 	snop  }
0x7: {  	_ = 	snop  }
__scs_overlays_trampoline_lowered:
0x8: {  	[smem:$0x3FAA] =	sst s0  }
0x9: {  	[smem:$0x3FAB] =	sst s1  }
0xa: {  	[smem:$0x3FAC] =	sst s2  }
0xb: {  	[smem:$0x3FAD] =	sst s3  }
0xc: {  	[smem:$0x3FAE] =	sst s4  }
0xd: {  	[smem:$0x3FAF] =	sst s5  }
0xe: {  	[smem:$0x3FB0] =	sst s6  }
0xf: {  	[smem:$0x3FB1] =	sst s7  }
0x10: {  	[smem:$0x3FB2] =	sst s8  }
0x11: {  	[smem:$0x3FB3] =	sst s9;
	s0 =	simm.s32 @!p0 $0x0  }
0x12: {  	s1 =	sld [smem:$0x3F99];
	s0 =	simm.s32 @p0 $0x1  }
0x13: {  	[smem:$0x3FB4] =	sst s0;
	s0 =	simm.s32 @!p1 $0x0  }
0x14: {  	s2 =	sld [smem:$0x3F98];
	s0 =	simm.s32 @p1 $0x1  }
0x15: {  	[smem:$0x3FB5] =	sst s0;
	s0 =	simm.s32 @!p2 $0x0  }
0x16: {  	s3 =	sld [smem:$0x3FDB];
	s0 =	simm.s32 @p2 $0x1  }
0x17: {  	s4 =	simm.s32 $0x1BF5;
	[smem:$0x3FB7] =	sst s0  }
0x18: {  	s0 =	sld [smem:$0x3F9A];
	_ =	swait.ge [sflag:s4], $0x0  }
0x19: {  	s7 =	sld [smem:$0x3F9B]  }
0x1a: {  	s8 =	sadd.s32 $0xFFFFE003, lr  }
0x1b: {  	s9 =	sadd.s32 $0xFFFFFEF7, lr;
	s5 =	simm.s32 $0xFFFFFFFF;
	p2 =	slt.u32 s8, $0xFFFFF086  }
0x1c: {  	p1 =	slt.u32 s9, $0xF7A;
	s5 =	simm.s32 @!p2 $0x0  }
0x1d: {  	s5 =	simm.s32 @p1 $0x1;
	p0 =	seq.s32 s7, s2  }
0x1e: {  	s7 =	smul.u32 @!p0 $0xF7A, s2;
	p2 =	seq.s32 @!p0 s5, $0x0  }
0x1f: {  	s9 =	smul.u32 $0xF7A, s1;
	s8 =	simm.s32 @!p0 $0x1BF5;
	p2 =	por !p2, p0  }
0x20: {  	[sflag:s8] =	ssyncset.s32 @!p0 $0xFFFFF086;
	s6 =	sadd.s32 @!p0 s3, s7;
	s7 =	simm.s32 @!p0 $0x108  }
0x21: {  	s3 =	sadd.s32 s3, s9;
	s6 =	sadd.s32 @!p0 $0x88, s6;
	s7 =	simm.s32 @p2 $0x1082  }
0x22: {  	[simem:s7], [sflag:s8] =	dma.local @!p0 [hbm:s6], $0xF7A  }
0x23: {  	s9 =	sor.u32 $0xD0000000, s2;
	s6 =	simm.s32 $0x108;
	_ =	swait.ge @!p0 [sflag:s8], $0x0  }
0x24: {  	s3 =	sadd.s32 $0x88, s3;
	s6 =	simm.s32 @!p1 $0x1082;
	[sflag:s4] =	ssyncset.s32 $0xFFFFF086  }
0x25: {  	[simem:s6], [sflag:s4] =	dma.local [hbm:s3], $0xF7A  }
0x26: {  	[smem:$0x3F9B] =	sst s1;
	(tag) =	ssettag s2;
	_ =	strace s9  }
0x27: {  	s1 =	sld [smem:$0x3FAB]  }
0x28: {  	s2 =	sld [smem:$0x3FAC]  }
0x29: {  	s4 =	sld [smem:$0x3FAE]  }
0x2a: {  	p0 =	seq.s32 s5, $0x0;
	s5 =	sld [smem:$0x3FAF]  }
0x2b: {  	s6 =	sld [smem:$0x3FB0]  }
0x2c: {  	s7 =	sld [smem:$0x3FB1]  }
0x2d: {  	s3 =	simm.s32 $0x108;
	s8 =	sld [smem:$0x3FB2]  }
0x2e: {  	s3 =	simm.s32 @!p0 $0x1082;
	s9 =	sld [smem:$0x3FB3]  }
0x2f: {  	lr =	sadd.s32 s0, s3;
	s0 =	sld [smem:$0x3FAA]  }
0x30: {  	s3 =	sld [smem:$0x3FAD]  }
0x31: {  	[smem:$0x3FB6] =	sst s10  }
0x32: {  	s10 =	sld [smem:$0x3FB4];
	_ =	sdelay $0x3  }
0x33: {  	p0 =	seq.s32 s10, $0x1;
	s10 =	sld [smem:$0x3FB6];
	_ =	sdelay $0x3  }
0x34: {  	[smem:$0x3FB6] =	sst s10  }
0x35: {  	s10 =	sld [smem:$0x3FB5];
	_ =	sdelay $0x3  }
0x36: {  	p1 =	seq.s32 s10, $0x1;
	s10 =	sld [smem:$0x3FB6];
	_ =	sdelay $0x3  }
0x37: {  	[smem:$0x3FB6] =	sst s10  }
0x38: {  	s10 =	sld [smem:$0x3FB7]  }
0x39: {  	_ = 	snop;
	(pc) =	sbr.ind lr, $3  }
0x3a: {  	_ = 	snop  }
0x3b: {  	_ = 	snop  }
0x3c: {  	p2 =	seq.s32 s10, $0x1;
	s10 =	sld [smem:$0x3FB6]  }
0x3d: {  	_ =	shalt  }
0x3e: {  	_ =	shalt  }
0x3f: {  	_ =	shalt  }
0x40: {  	_ =	shalt  }
0x41: {  	_ =	shalt  }
0x42: {  	_ =	shalt  }
0x43: {  	_ =	shalt  }
0x44: {  	_ =	shalt  }
0x45: {  	_ =	shalt  }
0x46: {  	_ =	shalt  }
0x47: {  	_ =	shalt  }
0x48: {  	_ =	shalt  }
0x49: {  	_ =	shalt  }
0x4a: {  	_ =	shalt  }
0x4b: {  	_ =	shalt  }
0x4c: {  	_ =	shalt  }
0x4d: {  	_ =	shalt  }
0x4e: {  	_ =	shalt  }
0x4f: {  	_ =	shalt  }
0x50: {  	_ =	shalt  }
0x51: {  	_ =	shalt  }
0x52: {  	_ =	shalt  }
0x53: {  	_ =	shalt  }
0x54: {  	_ =	shalt  }
0x55: {  	_ =	shalt  }
0x56: {  	_ =	shalt  }
0x57: {  	_ =	shalt  }
0x58: {  	_ =	shalt  }
0x59: {  	_ =	shalt  }
0x5a: {  	_ =	shalt  }
0x5b: {  	_ =	shalt  }
0x5c: {  	_ =	shalt  }
0x5d: {  	_ =	shalt  }
0x5e: {  	_ =	shalt  }
0x5f: {  	_ =	shalt  }
0x60: {  	_ =	shalt  }
0x61: {  	_ =	shalt  }
0x62: {  	_ =	shalt  }
0x63: {  	_ =	shalt  }
0x64: {  	_ =	shalt  }
0x65: {  	_ =	shalt  }
0x66: {  	_ =	shalt  }
0x67: {  	_ =	shalt  }
0x68: {  	_ =	shalt  }
0x69: {  	_ =	shalt  }
0x6a: {  	_ =	shalt  }
0x6b: {  	_ =	shalt  }
0x6c: {  	_ =	shalt  }
0x6d: {  	_ =	shalt  }
0x6e: {  	_ =	shalt  }
0x6f: {  	_ =	shalt  }
0x70: {  	_ =	shalt  }
0x71: {  	_ =	shalt  }
0x72: {  	_ =	shalt  }
0x73: {  	_ =	shalt  }
0x74: {  	_ =	shalt  }
0x75: {  	_ =	shalt  }
0x76: {  	_ =	shalt  }
0x77: {  	_ =	shalt  }
0x78: {  	_ =	shalt  }
0x79: {  	_ =	shalt  }
0x7a: {  	_ =	shalt  }
0x7b: {  	_ =	shalt  }
0x7c: {  	_ =	shalt  }
0x7d: {  	_ =	shalt  }
0x7e: {  	_ =	shalt  }
0x7f: {  	_ =	shalt  }
0x80: {  	_ =	shalt  }
0x81: {  	_ =	shalt  }
0x82: {  	_ =	shalt  }
0x83: {  	_ =	shalt  }
0x84: {  	_ =	shalt  }
0x85: {  	_ =	shalt  }
0x86: {  	_ =	shalt  }
0x87: {  	_ =	shalt  }
.Lfunc_end0:
.L_simem_size_0:
called_computation.1_lowered:
.L_overlay_start_0:
0x88: {  	s2 =	sld [smem:$0x3FD9]  }
0x89: {  	s3 =	sld [smem:$0x3FFE];
	_ =	sdelay $0x1  }
0x8a: {  	s1 =	srdreg.scid  }
0x8b: {  	s0 =	sand.u32 $0x1, s1  }
0x8c: {  	s16 =	sshll.u32 s0, $0xA;
	s2 =	sadd.s32 s3, s2  }
0x8d: {  	s2 =	sadd.s32 s2, s16  }
0x8e: {  	[smem:$0x3FC2] =	sst s2  }
0x8f: {  	_ = 	snop  }
0x90: {  	(tm) =	ssettm $0x1  }
0x91: {  	s17 =	sld [smem:$0x3FFB];
	_ =	sdelay $0x3  }
0x92: {  	_ =	strace s17  }
0x93: {  	s2 =	sld [smem:$0x3FFC];
	_ =	sdelay $0x3  }
0x94: {  	_ =	strace s2  }
0x95: {  	s2 =	sld [smem:$0x3FFD];
	_ =	sdelay $0x3  }
0x96: {  	_ =	strace s2  }
0x97: {  	_ =	strace $0x8FFFFFFF  }
0x98: {  	s18 =	sld [smem:$0x3FDB];
	_ =	sdelay $0x1  }
0x99: {  	s19 =	simm.s32 $_scs_section_size  }
0x9a: {  	s4 =	simm.s32 $_size__tile_overlayer_lowered;
	s5 =	simm.s32 $_tile_overlayer_lowered  }
0x9b: {  	s22 =	simm.s32 $0x1BFF;
	s21 =	sshll.u32 s5, $0x1;
	s2 =	sadd.s32 s19, s18  }
0x9c: {  	s6 =	simm.s32 $0x0;
	s20 =	sshll.u32 s4, $0x1;
	s4 =	sadd.s32 s21, s2  }
0x9d: {  	[timem:s6], [sflag:s22] =	dma.local [hbm:s4], s20  }
0x9e: {  	_ =	swait.ge [sflag:s22], s20  }
0x9f: {  	s3 =	ssub.s32 $0x0, s20;
	[sflag:s22] =	ssyncset.done $0x0  }
0xa0: {  	[sflag:s22] =	ssyncadd.s32 s3;
	_ =	sdelay $0x1  }
0xa1: {  	s23 =	simm.s32 $0x1B8B  }
0xa2: {  	_ =	swait.ge [sflag:s23], $0x1  }
0xa3: {  	[sflag:s23] =	ssyncset.done $0x0  }
0xa4: {  	s25 =	simm.s32 $0x1B8E;
	s24 =	sld [smem:$0x3FFE];
	[sflag:s23] =	ssyncadd.s32 $0xFFFFFFFF  }
0xa5: {  	s26 =	simm.s32 $execute0_lowered;
	[smem:$0x3FD2] =	sst s25  }
0xa6: {  	s4 =	sshll.u32 s26, $0x1;
	_ =	strace $0x80000049;
	[dreg:$0x1] =	wrdreg $0xFFFFFFFF  }
0xa7: {  	s28 =	simm.s32 $_size_execute0_lowered;
	s2 =	sadd.s32 s2, s4;
	[dreg:$0x0] =	wrdreg $0x0  }
0xa8: {  	s4 =	sshll.u32 s28, $0x1;
	[dreg:$0x2] =	wrdreg s2  }
0xa9: {  	[dreg:$0x3] =	wrdreg s4  }
0xaa: {  	[dreg:$0x4] =	wrdreg $0xC0  }
0xab: {  	_ =	task [dreg:s6], $0x5FFFF  }
0xac: {  	[dreg:$0x1] =	wrdreg $0xFFFFFFFF  }
0xad: {  	[dreg:$0x0] =	wrdreg $0x60  }
0xae: {  	[dreg:$0x2] =	wrdreg s24  }
0xaf: {  	[dreg:$0x3] =	wrdreg $0x9  }
0xb0: {  	_ =	task.clear_ibuf [dreg:s6], $0x4FFFF;
	_ =	strace $0x90000049  }
0xb1: {  	s29 =	simm.s32 $0x9;
	_ =	strace $0x8000004B  }
0xb2: {  	_ =	swait.ge [sflag:s29], $0x1  }
0xb3: {  	[sflag:s29] =	ssyncadd.s32 $0xFFFFFFFF  }
0xb4: {  	_ =	strace $0x9000004B  }
0xb5: {  	_ =	sfence  }
0xb6: {  	s30 =	sld [smem:$0x0];
	_ =	sdelay $0x2  }
0xb7: {  	s31 =	sshll.u32 s1, $0xD;
	s1 =	sshrl.u32 s1, $0x2  }
0xb8: {  	s3 =	sand.u32 $0x4000, s31;
	s1 =	sadd.s32 s1, s30  }
0xb9: {  	s0 =	sor.u32 s3, s0;
	s1 =	sshll.u32 s1, $0x11  }
0xba: {  	s0 =	sor.u32 s1, s0  }
0xbb: {  	s0 =	sadd.s32 $0x8F2B, s0  }
0xbc: {  	[sflag:s0] =	ssyncadd.remote.s32 $0x1  }
0xbd: {  	_ =	sfence.sel $0xFFFF  }
0xbe: {  	[dreg:$0x0] =	wrdreg $0xFFFFFFFF;
	(pc) =	sbr.abs _section_cstart, $3  }
0xbf: {  	[dreg:$0x1] =	wrdreg $0xFFFFFFFF  }
0xc0: {  	_ =	task.clear_ibuf [dreg:s6], $0x2FFFF;
	_ =	strace $0x9FFFFFFF  }
0xc1: {  	(tm) =	ssettm $0x7FFFFFFF  }
tec
execute0_lowered:
.L_overlay_start_1:
0x0: {  	(tag) =	ssettag $0x1  }
0x1: {  	s0 =	rddreg [dreg:$0x0]  }
0x2: {  	s2 =	simm.s32 $0x0;
	s1 =	srdreg.scid;
	s3 =	stileid.u32  }
0x3: {  	s12 =	simm.s32 $0x2;
	s13 =	simm.s32 $0x4;
	s15 =	simm.s32 $0x900  }
0x4: {  	s16 =	simm.s32 $0x1100;
	s17 =	simm.s32 $0x1900;
	s18 =	simm.s32 $0x2100  }
0x5: {  	s19 =	simm.s32 $0x2900;
	s20 =	simm.s32 $0x3100;
	s21 =	simm.s32 $0x3900  }
0x6: {  	s28 =	simm.s32 $0x6900;
	s29 =	simm.s32 $0x7100;
	s30 =	simm.s32 $0x7900  }
0x7: {  	s31 =	simm.s32 $0x8100;
	s11 =	simm.s32 $0x1;
	[smem:$0x7FF] =	sst s2  }
0x8: {  	s1 =	sand.u32 $0x1, s1;
	s3 =	sshll.u32 s3, $0x6;
	s5 =	sadd.s32 $0xA9600, s0  }
0x9: {  	s6 =	sadd.s32 $0x199A00, s0;
	s4 =	sshll.u32 s1, $0x5;
	s1 =	ssub.s32 $0x2, s1  }
0xa: {  	_ =	strace $0x8000004A;
	s4 =	sor.u32 s4, s3;
	s10 =	sshrl.u32 s1, $0x1  }
0xb: {  	s3 =	sadd.s32 s5, s4;
	s7 =	sor.u32 $0x8, s4;
	s8 =	smul.u32 $0x300, s4  }
0xc: {  	s24 =	sor.u32 $0x10, s4;
	s4 =	sor.u32 $0x18, s4;
	s1 =	ssub.s32 s1, s10  }
0xd: {  	s10 =	simm.s32 $0xA900;
	[dreg:$0x2] =	wrdreg s3;
	s22 =	sadd.s32 s5, s7  }
0xe: {  	s9 =	sadd.s32 s5, s24;
	s7 =	smul.u32 $0x300, s7;
	s3 =	sadd.s32 $0xA9A00, s0  }
0xf: {  	s5 =	sadd.s32 s5, s4;
	s25 =	smul.u32 $0x300, s4;
	[dreg:$0x3] =	wrdreg s22  }
0x10: {  	s4 =	sadd.s32 $0xA9B00, s0;
	s23 =	sadd.s32 s6, s8;
	[dreg:$0x5] =	wrdreg s9  }
0x11: {  	s8 =	smul.u32 $0x300, s24;
	[dreg:$0x7] =	wrdreg s5;
	s5 =	sadd.s32 $0xA9C00, s0  }
0x12: {  	s9 =	simm.s32 $0x3;
	s22 =	simm.s32 $0x4100;
	s24 =	simm.s32 $0x5100  }
0x13: {  	[dreg:$0x4] =	wrdreg s23;
	s7 =	sadd.s32 s6, s7;
	s23 =	simm.s32 $0x4900  }
0x14: {  	v2 =	vlaneseq.u32;
	[dreg:$0x6] =	wrdreg s7;
	s26 =	sadd.s32 s6, s8;
	s6 =	sadd.s32 s6, s25  }
0x15: {  	vm0 =	vmmov $0xffff;
	v1 =	vshrl.u32 v2, $0x3;
	s7 =	simm.s32 $0x5;
	s25 =	simm.s32 $0x5900;
	[dreg:$0x8] =	wrdreg s26  }
0x16: {  	v0 =	vand.u32 $0x7, v2;
	v2 =	vor.u32 $0x8, v2;
	v1 =	vmul.u32 $0x8, v1;
	[dreg:$0x9] =	wrdreg s6;
	s6 =	smax.u32 s1, $0x1;
	s26 =	simm.s32 $0x6100  }
.LBB2_1:
0x17: {  	s14 =	rddreg [dreg:$0x2]  }
0x18: {  	[tilespmem:s2], [sflag:$0x5] =	stream.linear.gather [hbm4b:s14+s2], $0x40, $0x38;
	[tilespmem:$0x18100] =	vst v63  }
0x19: {  	_ =	swait.ge [sflag:s7], $0x40  }
0x1a: {  	[sflag:s7] =	ssyncset.done $0x0  }
0x1b: {  	[sflag:s7] =	ssyncadd.s32 $0xFFFFFFC0  }
0x1c: {  	v3 =	vld [tilespmem:$0x0];
	_ =	sdelay $0x4  }
0x1d: {  	v4 =	vshrl.u32 v3, $0x3  }
0x1e: {  	v4 =	vmul.u32 $0x30, v4  }
0x1f: {  	v3 =	vand.u32 $0x7, v3  }
0x20: {  	v3 =	vor.u32 v3, v4  }
0x21: {  	v4 =	vperm.xlane v3, v0;
	_ =	sdelay $0x1  }
0x22: {  	v4 =	vadd.s32 v1, v4;
	_ =	sdelay $0x3  }
0x23: {  	s0 =	simm.s32 $0x100;
	v3 =	vperm.xlane v3, v2  }
0x24: {  	[tilespmem:s0], [sflag:$0x1] =	stream.indirect_vreg.gather [hbm4b:s3+s2], $0x80, v4, vm0, $0xb8;
	[tilespmem:$0x18100] =	vst v63  }
0x25: {  	v3 =	vadd.s32 v1, v3  }
0x26: {  	[tilespmem:s15], [sflag:$0x1] =	stream.indirect_vreg.gather [hbm4b:s4+s2], $0x80, v4, vm0, $0xb8;
	[tilespmem:$0x18100] =	vst v63  }
0x27: {  	_ = 	snop  }
0x28: {  	[tilespmem:s16], [sflag:$0x1] =	stream.indirect_vreg.gather [hbm4b:s5+s2], $0x80, v4, vm0, $0xb8;
	[tilespmem:$0x18100] =	vst v63  }
0x29: {  	_ = 	snop  }
0x2a: {  	[tilespmem:s17], [sflag:$0x1] =	stream.indirect_vreg.gather [hbm4b:s3+s2], $0x80, v3, vm0, $0xb8;
	[tilespmem:$0x18100] =	vst v63  }
0x2b: {  	_ = 	snop  }
0x2c: {  	[tilespmem:s18], [sflag:$0x1] =	stream.indirect_vreg.gather [hbm4b:s4+s2], $0x80, v3, vm0, $0xb8;
	[tilespmem:$0x18100] =	vst v63  }
0x2d: {  	_ = 	snop  }
0x2e: {  	[tilespmem:s19], [sflag:$0x1] =	stream.indirect_vreg.gather [hbm4b:s5+s2], $0x80, v3, vm0, $0xb8;
	[tilespmem:$0x18100] =	vst v63  }
0x2f: {  	v3 =	vld [tilespmem:$0x10];
	_ =	sdelay $0x4  }
0x30: {  	v49 =	vshrl.u32 v3, $0x3  }
0x31: {  	v4 =	vmul.u32 $0x30, v49  }
0x32: {  	v3 =	vand.u32 $0x7, v3  }
0x33: {  	v3 =	vor.u32 v3, v4  }
0x34: {  	v4 =	vperm.xlane v3, v0;
	_ =	sdelay $0x1  }
0x35: {  	v4 =	vadd.s32 v1, v4;
	_ =	sdelay $0x3  }
0x36: {  	v3 =	vperm.xlane v3, v2  }
0x37: {  	[tilespmem:s20], [sflag:$0x1] =	stream.indirect_vreg.gather [hbm4b:s3+s2], $0x80, v4, vm0, $0xb8;
	[tilespmem:$0x18100] =	vst v63  }
0x38: {  	v3 =	vadd.s32 v1, v3  }
0x39: {  	[tilespmem:s21], [sflag:$0x1] =	stream.indirect_vreg.gather [hbm4b:s4+s2], $0x80, v4, vm0, $0xb8;
	[tilespmem:$0x18100] =	vst v63  }
0x3a: {  	_ = 	snop  }
0x3b: {  	[tilespmem:s22], [sflag:$0x1] =	stream.indirect_vreg.gather [hbm4b:s5+s2], $0x80, v4, vm0, $0xb8;
	[tilespmem:$0x18100] =	vst v63  }
0x3c: {  	_ = 	snop  }
0x3d: {  	[tilespmem:s23], [sflag:$0x1] =	stream.indirect_vreg.gather [hbm4b:s3+s2], $0x80, v3, vm0, $0xb8;
	[tilespmem:$0x18100] =	vst v63  }
0x3e: {  	_ = 	snop  }
0x3f: {  	[tilespmem:s24], [sflag:$0x1] =	stream.indirect_vreg.gather [hbm4b:s4+s2], $0x80, v3, vm0, $0xb8;
	[tilespmem:$0x18100] =	vst v63  }
0x40: {  	_ = 	snop  }
0x41: {  	[tilespmem:s25], [sflag:$0x1] =	stream.indirect_vreg.gather [hbm4b:s5+s2], $0x80, v3, vm0, $0xb8;
	[tilespmem:$0x18100] =	vst v63  }
0x42: {  	v3 =	vld [tilespmem:$0x20];
	_ =	sdelay $0x4  }
0x43: {  	v50 =	vshrl.u32 v3, $0x3  }
0x44: {  	v4 =	vmul.u32 $0x30, v50  }
0x45: {  	v3 =	vand.u32 $0x7, v3  }
0x46: {  	v3 =	vor.u32 v3, v4  }
0x47: {  	v4 =	vperm.xlane v3, v0;
	_ =	sdelay $0x1  }
0x48: {  	v4 =	vadd.s32 v1, v4;
	_ =	sdelay $0x3  }
0x49: {  	v3 =	vperm.xlane v3, v2  }
0x4a: {  	[tilespmem:s26], [sflag:$0x1] =	stream.indirect_vreg.gather [hbm4b:s3+s2], $0x80, v4, vm0, $0xb8;
	[tilespmem:$0x18100] =	vst v63  }
0x4b: {  	v3 =	vadd.s32 v1, v3  }
0x4c: {  	[tilespmem:s28], [sflag:$0x1] =	stream.indirect_vreg.gather [hbm4b:s4+s2], $0x80, v4, vm0, $0xb8;
	[tilespmem:$0x18100] =	vst v63  }
0x4d: {  	_ = 	snop  }
0x4e: {  	[tilespmem:s29], [sflag:$0x1] =	stream.indirect_vreg.gather [hbm4b:s5+s2], $0x80, v4, vm0, $0xb8;
	[tilespmem:$0x18100] =	vst v63  }
0x4f: {  	_ = 	snop  }
0x50: {  	[tilespmem:s30], [sflag:$0x1] =	stream.indirect_vreg.gather [hbm4b:s3+s2], $0x80, v3, vm0, $0xb8;
	[tilespmem:$0x18100] =	vst v63  }
0x51: {  	_ = 	snop  }
0x52: {  	[tilespmem:s31], [sflag:$0x1] =	stream.indirect_vreg.gather [hbm4b:s4+s2], $0x80, v3, vm0, $0xb8;
	[tilespmem:$0x18100] =	vst v63  }
0x53: {  	s8 =	simm.s32 $0x8900  }
0x54: {  	[tilespmem:s8], [sflag:$0x1] =	stream.indirect_vreg.gather [hbm4b:s5+s2], $0x80, v3, vm0, $0xb8;
	[tilespmem:$0x18100] =	vst v63  }
0x55: {  	v3 =	vld [tilespmem:$0x30];
	_ =	sdelay $0x4  }
0x56: {  	v51 =	vshrl.u32 v3, $0x3  }
0x57: {  	v4 =	vmul.u32 $0x30, v51  }
0x58: {  	v3 =	vand.u32 $0x7, v3  }
0x59: {  	v3 =	vor.u32 v3, v4  }
0x5a: {  	v4 =	vperm.xlane v3, v0;
	_ =	sdelay $0x1  }
0x5b: {  	v4 =	vadd.s32 v1, v4;
	_ =	sdelay $0x3  }
0x5c: {  	s14 =	simm.s32 $0x9100;
	v3 =	vperm.xlane v3, v2  }
0x5d: {  	[tilespmem:s14], [sflag:$0x1] =	stream.indirect_vreg.gather [hbm4b:s3+s2], $0x80, v4, vm0, $0xb8;
	[tilespmem:$0x18100] =	vst v63  }
0x5e: {  	s1 =	simm.s32 $0x9900;
	v3 =	vadd.s32 v1, v3  }
0x5f: {  	[tilespmem:s1], [sflag:$0x1] =	stream.indirect_vreg.gather [hbm4b:s4+s2], $0x80, v4, vm0, $0xb8;
	[tilespmem:$0x18100] =	vst v63  }
0x60: {  	s8 =	simm.s32 $0xA100  }
0x61: {  	[tilespmem:s8], [sflag:$0x1] =	stream.indirect_vreg.gather [hbm4b:s5+s2], $0x80, v4, vm0, $0xb8;
	[tilespmem:$0x18100] =	vst v63  }
0x62: {  	_ = 	snop  }
0x63: {  	[tilespmem:s10], [sflag:$0x1] =	stream.indirect_vreg.gather [hbm4b:s3+s2], $0x80, v3, vm0, $0xb8;
	[tilespmem:$0x18100] =	vst v63  }
0x64: {  	s14 =	simm.s32 $0xB100  }
0x65: {  	[tilespmem:s14], [sflag:$0x1] =	stream.indirect_vreg.gather [hbm4b:s4+s2], $0x80, v3, vm0, $0xb8;
	[tilespmem:$0x18100] =	vst v63  }
0x66: {  	s1 =	simm.s32 $0xB900  }
0x67: {  	[tilespmem:s1], [sflag:$0x1] =	stream.indirect_vreg.gather [hbm4b:s5+s2], $0x80, v3, vm0, $0xb8;
	[tilespmem:$0x18100] =	vst v63  }
0x68: {  	s0 =	rddreg [dreg:$0x3];
	s8 =	simm.s32 $0x80  }
0x69: {  	[tilespmem:s8], [sflag:$0x5] =	stream.linear.gather [hbm4b:s0+s2], $0x40, $0x38;
	[tilespmem:$0x18100] =	vst v63  }
0x6a: {  	_ =	swait.ge [sflag:s7], $0x40  }
0x6b: {  	[sflag:s7] =	ssyncset.done $0x0  }
0x6c: {  	[sflag:s7] =	ssyncadd.s32 $0xFFFFFFC0  }
0x6d: {  	v3 =	vld [tilespmem:$0x80];
	_ =	sdelay $0x4  }
0x6e: {  	v52 =	vshrl.u32 v3, $0x3  }
0x6f: {  	v4 =	vmul.u32 $0x30, v52  }
0x70: {  	v3 =	vand.u32 $0x7, v3  }
0x71: {  	v3 =	vor.u32 v3, v4  }
0x72: {  	v4 =	vperm.xlane v3, v0;
	_ =	sdelay $0x1  }
0x73: {  	v4 =	vadd.s32 v1, v4;
	_ =	sdelay $0x3  }
0x74: {  	s0 =	simm.s32 $0xC100;
	v3 =	vperm.xlane v3, v2  }
0x75: {  	[tilespmem:s0], [sflag:$0x2] =	stream.indirect_vreg.gather [hbm4b:s3+s2], $0x80, v4, vm0, $0xb8;
	[tilespmem:$0x18100] =	vst v63  }
0x76: {  	s8 =	simm.s32 $0xC900;
	v3 =	vadd.s32 v1, v3  }
0x77: {  	[tilespmem:s8], [sflag:$0x2] =	stream.indirect_vreg.gather [hbm4b:s4+s2], $0x80, v4, vm0, $0xb8;
	[tilespmem:$0x18100] =	vst v63  }
0x78: {  	s14 =	simm.s32 $0xD100  }
0x79: {  	[tilespmem:s14], [sflag:$0x2] =	stream.indirect_vreg.gather [hbm4b:s5+s2], $0x80, v4, vm0, $0xb8;
	[tilespmem:$0x18100] =	vst v63  }
0x7a: {  	s14 =	simm.s32 $0xD900  }
0x7b: {  	[tilespmem:s14], [sflag:$0x2] =	stream.indirect_vreg.gather [hbm4b:s3+s2], $0x80, v3, vm0, $0xb8;
	[tilespmem:$0x18100] =	vst v63  }
0x7c: {  	s14 =	simm.s32 $0xE100  }
0x7d: {  	[tilespmem:s14], [sflag:$0x2] =	stream.indirect_vreg.gather [hbm4b:s4+s2], $0x80, v3, vm0, $0xb8;
	[tilespmem:$0x18100] =	vst v63  }
0x7e: {  	s14 =	simm.s32 $0xE900  }
0x7f: {  	[tilespmem:s14], [sflag:$0x2] =	stream.indirect_vreg.gather [hbm4b:s5+s2], $0x80, v3, vm0, $0xb8;
	[tilespmem:$0x18100] =	vst v63  }
0x80: {  	v3 =	vld [tilespmem:$0x90];
	_ =	sdelay $0x4  }
0x81: {  	v53 =	vshrl.u32 v3, $0x3  }
0x82: {  	v4 =	vmul.u32 $0x30, v53  }
0x83: {  	v3 =	vand.u32 $0x7, v3  }
0x84: {  	v3 =	vor.u32 v3, v4  }
0x85: {  	v4 =	vperm.xlane v3, v0;
	_ =	sdelay $0x1  }
0x86: {  	v4 =	vadd.s32 v1, v4;
	_ =	sdelay $0x3  }
0x87: {  	s14 =	simm.s32 $0xF100;
	v3 =	vperm.xlane v3, v2  }
0x88: {  	[tilespmem:s14], [sflag:$0x2] =	stream.indirect_vreg.gather [hbm4b:s3+s2], $0x80, v4, vm0, $0xb8;
	[tilespmem:$0x18100] =	vst v63  }
0x89: {  	v3 =	vadd.s32 v1, v3;
	s14 =	simm.s32 $0xF900  }
0x8a: {  	[tilespmem:s14], [sflag:$0x2] =	stream.indirect_vreg.gather [hbm4b:s4+s2], $0x80, v4, vm0, $0xb8;
	[tilespmem:$0x18100] =	vst v63  }
0x8b: {  	s14 =	simm.s32 $0x10100  }
0x8c: {  	[tilespmem:s14], [sflag:$0x2] =	stream.indirect_vreg.gather [hbm4b:s5+s2], $0x80, v4, vm0, $0xb8;
	[tilespmem:$0x18100] =	vst v63  }
0x8d: {  	s14 =	simm.s32 $0x10900  }
0x8e: {  	[tilespmem:s14], [sflag:$0x2] =	stream.indirect_vreg.gather [hbm4b:s3+s2], $0x80, v3, vm0, $0xb8;
	[tilespmem:$0x18100] =	vst v63  }
0x8f: {  	s14 =	simm.s32 $0x11100  }
0x90: {  	[tilespmem:s14], [sflag:$0x2] =	stream.indirect_vreg.gather [hbm4b:s4+s2], $0x80, v3, vm0, $0xb8;
	[tilespmem:$0x18100] =	vst v63  }
0x91: {  	s14 =	simm.s32 $0x11900  }
0x92: {  	[tilespmem:s14], [sflag:$0x2] =	stream.indirect_vreg.gather [hbm4b:s5+s2], $0x80, v3, vm0, $0xb8;
	[tilespmem:$0x18100] =	vst v63  }
0x93: {  	v3 =	vld [tilespmem:$0xA0];
	_ =	sdelay $0x4  }
0x94: {  	v54 =	vshrl.u32 v3, $0x3  }
0x95: {  	v4 =	vmul.u32 $0x30, v54  }
0x96: {  	v3 =	vand.u32 $0x7, v3  }
0x97: {  	v3 =	vor.u32 v3, v4  }
0x98: {  	v4 =	vperm.xlane v3, v0;
	_ =	sdelay $0x1  }
0x99: {  	v4 =	vadd.s32 v1, v4;
	_ =	sdelay $0x3  }
0x9a: {  	s14 =	simm.s32 $0x12100;
	v3 =	vperm.xlane v3, v2  }
0x9b: {  	[tilespmem:s14], [sflag:$0x2] =	stream.indirect_vreg.gather [hbm4b:s3+s2], $0x80, v4, vm0, $0xb8;
	[tilespmem:$0x18100] =	vst v63  }
0x9c: {  	v3 =	vadd.s32 v1, v3;
	s14 =	simm.s32 $0x12900  }
0x9d: {  	[tilespmem:s14], [sflag:$0x2] =	stream.indirect_vreg.gather [hbm4b:s4+s2], $0x80, v4, vm0, $0xb8;
	[tilespmem:$0x18100] =	vst v63  }
0x9e: {  	s14 =	simm.s32 $0x13100  }
0x9f: {  	[tilespmem:s14], [sflag:$0x2] =	stream.indirect_vreg.gather [hbm4b:s5+s2], $0x80, v4, vm0, $0xb8;
	[tilespmem:$0x18100] =	vst v63  }
0xa0: {  	s14 =	simm.s32 $0x13900  }
0xa1: {  	[tilespmem:s14], [sflag:$0x2] =	stream.indirect_vreg.gather [hbm4b:s3+s2], $0x80, v3, vm0, $0xb8;
	[tilespmem:$0x18100] =	vst v63  }
0xa2: {  	s14 =	simm.s32 $0x14100  }
0xa3: {  	[tilespmem:s14], [sflag:$0x2] =	stream.indirect_vreg.gather [hbm4b:s4+s2], $0x80, v3, vm0, $0xb8;
	[tilespmem:$0x18100] =	vst v63  }
0xa4: {  	s14 =	simm.s32 $0x14900  }
0xa5: {  	[tilespmem:s14], [sflag:$0x2] =	stream.indirect_vreg.gather [hbm4b:s5+s2], $0x80, v3, vm0, $0xb8;
	[tilespmem:$0x18100] =	vst v63  }
0xa6: {  	v3 =	vld [tilespmem:$0xB0];
	_ =	sdelay $0x4  }
0xa7: {  	v55 =	vshrl.u32 v3, $0x3  }
0xa8: {  	v4 =	vmul.u32 $0x30, v55  }
0xa9: {  	v3 =	vand.u32 $0x7, v3  }
0xaa: {  	v3 =	vor.u32 v3, v4  }
0xab: {  	v4 =	vperm.xlane v3, v0;
	_ =	sdelay $0x1  }
0xac: {  	v4 =	vadd.s32 v1, v4;
	_ =	sdelay $0x3  }
0xad: {  	s14 =	simm.s32 $0x15100;
	v3 =	vperm.xlane v3, v2  }
0xae: {  	[tilespmem:s14], [sflag:$0x2] =	stream.indirect_vreg.gather [hbm4b:s3+s2], $0x80, v4, vm0, $0xb8;
	[tilespmem:$0x18100] =	vst v63  }
0xaf: {  	v3 =	vadd.s32 v1, v3;
	s14 =	simm.s32 $0x15900  }
0xb0: {  	[tilespmem:s14], [sflag:$0x2] =	stream.indirect_vreg.gather [hbm4b:s4+s2], $0x80, v4, vm0, $0xb8;
	[tilespmem:$0x18100] =	vst v63  }
0xb1: {  	s14 =	simm.s32 $0x16100  }
0xb2: {  	[tilespmem:s14], [sflag:$0x2] =	stream.indirect_vreg.gather [hbm4b:s5+s2], $0x80, v4, vm0, $0xb8;
	[tilespmem:$0x18100] =	vst v63  }
0xb3: {  	s14 =	simm.s32 $0x16900  }
0xb4: {  	[tilespmem:s14], [sflag:$0x2] =	stream.indirect_vreg.gather [hbm4b:s3+s2], $0x80, v3, vm0, $0xb8;
	[tilespmem:$0x18100] =	vst v63  }
0xb5: {  	s14 =	simm.s32 $0x17100  }
0xb6: {  	[tilespmem:s14], [sflag:$0x2] =	stream.indirect_vreg.gather [hbm4b:s4+s2], $0x80, v3, vm0, $0xb8;
	[tilespmem:$0x18100] =	vst v63  }
0xb7: {  	s14 =	simm.s32 $0x17900  }
0xb8: {  	[tilespmem:s14], [sflag:$0x2] =	stream.indirect_vreg.gather [hbm4b:s5+s2], $0x80, v3, vm0, $0xb8;
	[tilespmem:$0x18100] =	vst v63  }
0xb9: {  	_ =	swait.ge [sflag:s11], $0xC000  }
0xba: {  	[sflag:s11] =	ssyncset.done $0x0  }
0xbb: {  	s8 =	simm.s32 $0x100;
	s14 =	rddreg [dreg:$0x4];
	[sflag:s11] =	ssyncadd.s32 $0xFFFF4000  }
0xbc: {  	[hbm4b:s14+s2] =	stream.linear.scatter [tilespmem:s8], [sflag:$0x3], $0xC000, $0x38;
	[tilespmem:$0x18100] =	vst v63  }
0xbd: {  	_ =	swait.ge [sflag:s9], $0xC000  }
0xbe: {  	[sflag:s9] =	ssyncset.done $0x0  }
0xbf: {  	s14 =	rddreg [dreg:$0x5];
	[sflag:s9] =	ssyncadd.s32 $0xFFFF4000  }
0xc0: {  	[tilespmem:s2], [sflag:$0x5] =	stream.linear.gather [hbm4b:s14+s2], $0x40, $0x38;
	[tilespmem:$0x18100] =	vst v63  }
0xc1: {  	_ =	swait.ge [sflag:s7], $0x40  }
0xc2: {  	[sflag:s7] =	ssyncset.done $0x0  }
0xc3: {  	[sflag:s7] =	ssyncadd.s32 $0xFFFFFFC0  }
0xc4: {  	v3 =	vld [tilespmem:$0x0];
	_ =	sdelay $0x4  }
0xc5: {  	v56 =	vshrl.u32 v3, $0x3  }
0xc6: {  	v4 =	vmul.u32 $0x30, v56  }
0xc7: {  	v3 =	vand.u32 $0x7, v3  }
0xc8: {  	v3 =	vor.u32 v3, v4  }
0xc9: {  	v4 =	vperm.xlane v3, v0;
	_ =	sdelay $0x1  }
0xca: {  	v4 =	vadd.s32 v1, v4;
	_ =	sdelay $0x3  }
0xcb: {  	v3 =	vperm.xlane v3, v2  }
0xcc: {  	[tilespmem:s8], [sflag:$0x1] =	stream.indirect_vreg.gather [hbm4b:s3+s2], $0x80, v4, vm0, $0xb8;
	[tilespmem:$0x18100] =	vst v63  }
0xcd: {  	v3 =	vadd.s32 v1, v3  }
0xce: {  	[tilespmem:s15], [sflag:$0x1] =	stream.indirect_vreg.gather [hbm4b:s4+s2], $0x80, v4, vm0, $0xb8;
	[tilespmem:$0x18100] =	vst v63  }
0xcf: {  	_ = 	snop  }
0xd0: {  	[tilespmem:s16], [sflag:$0x1] =	stream.indirect_vreg.gather [hbm4b:s5+s2], $0x80, v4, vm0, $0xb8;
	[tilespmem:$0x18100] =	vst v63  }
0xd1: {  	_ = 	snop  }
0xd2: {  	[tilespmem:s17], [sflag:$0x1] =	stream.indirect_vreg.gather [hbm4b:s3+s2], $0x80, v3, vm0, $0xb8;
	[tilespmem:$0x18100] =	vst v63  }
0xd3: {  	_ = 	snop  }
0xd4: {  	[tilespmem:s18], [sflag:$0x1] =	stream.indirect_vreg.gather [hbm4b:s4+s2], $0x80, v3, vm0, $0xb8;
	[tilespmem:$0x18100] =	vst v63  }
0xd5: {  	_ = 	snop  }
0xd6: {  	[tilespmem:s19], [sflag:$0x1] =	stream.indirect_vreg.gather [hbm4b:s5+s2], $0x80, v3, vm0, $0xb8;
	[tilespmem:$0x18100] =	vst v63  }
0xd7: {  	v3 =	vld [tilespmem:$0x10];
	_ =	sdelay $0x4  }
0xd8: {  	v57 =	vshrl.u32 v3, $0x3  }
0xd9: {  	v4 =	vmul.u32 $0x30, v57  }
0xda: {  	v3 =	vand.u32 $0x7, v3  }
0xdb: {  	v3 =	vor.u32 v3, v4  }
0xdc: {  	v4 =	vperm.xlane v3, v0;
	_ =	sdelay $0x1  }
0xdd: {  	v4 =	vadd.s32 v1, v4;
	_ =	sdelay $0x3  }
0xde: {  	v3 =	vperm.xlane v3, v2  }
0xdf: {  	[tilespmem:s20], [sflag:$0x1] =	stream.indirect_vreg.gather [hbm4b:s3+s2], $0x80, v4, vm0, $0xb8;
	[tilespmem:$0x18100] =	vst v63  }
0xe0: {  	v3 =	vadd.s32 v1, v3  }
0xe1: {  	[tilespmem:s21], [sflag:$0x1] =	stream.indirect_vreg.gather [hbm4b:s4+s2], $0x80, v4, vm0, $0xb8;
	[tilespmem:$0x18100] =	vst v63  }
0xe2: {  	_ = 	snop  }
0xe3: {  	[tilespmem:s22], [sflag:$0x1] =	stream.indirect_vreg.gather [hbm4b:s5+s2], $0x80, v4, vm0, $0xb8;
	[tilespmem:$0x18100] =	vst v63  }
0xe4: {  	_ = 	snop  }
0xe5: {  	[tilespmem:s23], [sflag:$0x1] =	stream.indirect_vreg.gather [hbm4b:s3+s2], $0x80, v3, vm0, $0xb8;
	[tilespmem:$0x18100] =	vst v63  }
0xe6: {  	_ = 	snop  }
0xe7: {  	[tilespmem:s24], [sflag:$0x1] =	stream.indirect_vreg.gather [hbm4b:s4+s2], $0x80, v3, vm0, $0xb8;
	[tilespmem:$0x18100] =	vst v63  }
0xe8: {  	_ = 	snop  }
0xe9: {  	[tilespmem:s25], [sflag:$0x1] =	stream.indirect_vreg.gather [hbm4b:s5+s2], $0x80, v3, vm0, $0xb8;
	[tilespmem:$0x18100] =	vst v63  }
0xea: {  	v3 =	vld [tilespmem:$0x20];
	_ =	sdelay $0x4  }
0xeb: {  	v58 =	vshrl.u32 v3, $0x3  }
0xec: {  	v4 =	vmul.u32 $0x30, v58  }
0xed: {  	v3 =	vand.u32 $0x7, v3  }
0xee: {  	v3 =	vor.u32 v3, v4  }
0xef: {  	v4 =	vperm.xlane v3, v0;
	_ =	sdelay $0x1  }
0xf0: {  	v4 =	vadd.s32 v1, v4;
	_ =	sdelay $0x3  }
0xf1: {  	v3 =	vperm.xlane v3, v2  }
0xf2: {  	[tilespmem:s26], [sflag:$0x1] =	stream.indirect_vreg.gather [hbm4b:s3+s2], $0x80, v4, vm0, $0xb8;
	[tilespmem:$0x18100] =	vst v63  }
0xf3: {  	v3 =	vadd.s32 v1, v3  }
0xf4: {  	[tilespmem:s28], [sflag:$0x1] =	stream.indirect_vreg.gather [hbm4b:s4+s2], $0x80, v4, vm0, $0xb8;
	[tilespmem:$0x18100] =	vst v63  }
0xf5: {  	_ = 	snop  }
0xf6: {  	[tilespmem:s29], [sflag:$0x1] =	stream.indirect_vreg.gather [hbm4b:s5+s2], $0x80, v4, vm0, $0xb8;
	[tilespmem:$0x18100] =	vst v63  }
0xf7: {  	_ = 	snop  }
0xf8: {  	[tilespmem:s30], [sflag:$0x1] =	stream.indirect_vreg.gather [hbm4b:s3+s2], $0x80, v3, vm0, $0xb8;
	[tilespmem:$0x18100] =	vst v63  }
0xf9: {  	_ = 	snop  }
0xfa: {  	[tilespmem:s31], [sflag:$0x1] =	stream.indirect_vreg.gather [hbm4b:s4+s2], $0x80, v3, vm0, $0xb8;
	[tilespmem:$0x18100] =	vst v63  }
0xfb: {  	s14 =	simm.s32 $0x8900  }
0xfc: {  	[tilespmem:s14], [sflag:$0x1] =	stream.indirect_vreg.gather [hbm4b:s5+s2], $0x80, v3, vm0, $0xb8;
	[tilespmem:$0x18100] =	vst v63  }
0xfd: {  	v3 =	vld [tilespmem:$0x30];
	_ =	sdelay $0x4  }
0xfe: {  	v59 =	vshrl.u32 v3, $0x3  }
0xff: {  	v4 =	vmul.u32 $0x30, v59  }
0x100: {  	v3 =	vand.u32 $0x7, v3  }
0x101: {  	v3 =	vor.u32 v3, v4  }
0x102: {  	v4 =	vperm.xlane v3, v0;
	_ =	sdelay $0x1  }
0x103: {  	v4 =	vadd.s32 v1, v4;
	_ =	sdelay $0x3  }
0x104: {  	s14 =	simm.s32 $0x9100;
	v3 =	vperm.xlane v3, v2  }
0x105: {  	[tilespmem:s14], [sflag:$0x1] =	stream.indirect_vreg.gather [hbm4b:s3+s2], $0x80, v4, vm0, $0xb8;
	[tilespmem:$0x18100] =	vst v63  }
0x106: {  	v3 =	vadd.s32 v1, v3;
	s14 =	simm.s32 $0x9900  }
0x107: {  	[tilespmem:s14], [sflag:$0x1] =	stream.indirect_vreg.gather [hbm4b:s4+s2], $0x80, v4, vm0, $0xb8;
	[tilespmem:$0x18100] =	vst v63  }
0x108: {  	s14 =	simm.s32 $0xA100  }
0x109: {  	[tilespmem:s14], [sflag:$0x1] =	stream.indirect_vreg.gather [hbm4b:s5+s2], $0x80, v4, vm0, $0xb8;
	[tilespmem:$0x18100] =	vst v63  }
0x10a: {  	_ = 	snop  }
0x10b: {  	[tilespmem:s10], [sflag:$0x1] =	stream.indirect_vreg.gather [hbm4b:s3+s2], $0x80, v3, vm0, $0xb8;
	[tilespmem:$0x18100] =	vst v63  }
0x10c: {  	s14 =	simm.s32 $0xB100  }
0x10d: {  	[tilespmem:s14], [sflag:$0x1] =	stream.indirect_vreg.gather [hbm4b:s4+s2], $0x80, v3, vm0, $0xb8;
	[tilespmem:$0x18100] =	vst v63  }
0x10e: {  	_ = 	snop  }
0x10f: {  	[tilespmem:s1], [sflag:$0x1] =	stream.indirect_vreg.gather [hbm4b:s5+s2], $0x80, v3, vm0, $0xb8;
	[tilespmem:$0x18100] =	vst v63  }
0x110: {  	_ =	swait.ge [sflag:s12], $0xC000  }
0x111: {  	[sflag:s12] =	ssyncset.done $0x0  }
0x112: {  	s8 =	rddreg [dreg:$0x6];
	[sflag:s12] =	ssyncadd.s32 $0xFFFF4000  }
0x113: {  	[hbm4b:s8+s2] =	stream.linear.scatter [tilespmem:s0], [sflag:$0x4], $0xC000, $0x38;
	[tilespmem:$0x18100] =	vst v63  }
0x114: {  	_ =	swait.ge [sflag:s13], $0xC000  }
0x115: {  	[sflag:s13] =	ssyncset.done $0x0  }
0x116: {  	s8 =	simm.s32 $0x80;
	s1 =	rddreg [dreg:$0x7];
	[sflag:s13] =	ssyncadd.s32 $0xFFFF4000  }
0x117: {  	[tilespmem:s8], [sflag:$0x5] =	stream.linear.gather [hbm4b:s1+s2], $0x40, $0x38;
	[tilespmem:$0x18100] =	vst v63  }
0x118: {  	_ =	swait.ge [sflag:s7], $0x40  }
0x119: {  	[sflag:s7] =	ssyncset.done $0x0  }
0x11a: {  	[sflag:s7] =	ssyncadd.s32 $0xFFFFFFC0  }
0x11b: {  	v3 =	vld [tilespmem:$0x80];
	_ =	sdelay $0x4  }
0x11c: {  	v60 =	vshrl.u32 v3, $0x3  }
0x11d: {  	v4 =	vmul.u32 $0x30, v60  }
0x11e: {  	v3 =	vand.u32 $0x7, v3  }
0x11f: {  	v3 =	vor.u32 v3, v4  }
0x120: {  	v4 =	vperm.xlane v3, v0;
	_ =	sdelay $0x1  }
0x121: {  	v4 =	vadd.s32 v1, v4;
	_ =	sdelay $0x3  }
0x122: {  	v3 =	vperm.xlane v3, v2  }
0x123: {  	[tilespmem:s0], [sflag:$0x2] =	stream.indirect_vreg.gather [hbm4b:s3+s2], $0x80, v4, vm0, $0xb8;
	[tilespmem:$0x18100] =	vst v63  }
0x124: {  	s14 =	simm.s32 $0xC900;
	v3 =	vadd.s32 v1, v3  }
0x125: {  	[tilespmem:s14], [sflag:$0x2] =	stream.indirect_vreg.gather [hbm4b:s4+s2], $0x80, v4, vm0, $0xb8;
	[tilespmem:$0x18100] =	vst v63  }
0x126: {  	s8 =	simm.s32 $0xD100  }
0x127: {  	[tilespmem:s8], [sflag:$0x2] =	stream.indirect_vreg.gather [hbm4b:s5+s2], $0x80, v4, vm0, $0xb8;
	[tilespmem:$0x18100] =	vst v63  }
0x128: {  	s14 =	simm.s32 $0xD900  }
0x129: {  	[tilespmem:s14], [sflag:$0x2] =	stream.indirect_vreg.gather [hbm4b:s3+s2], $0x80, v3, vm0, $0xb8;
	[tilespmem:$0x18100] =	vst v63  }
0x12a: {  	s8 =	simm.s32 $0xE100  }
0x12b: {  	[tilespmem:s8], [sflag:$0x2] =	stream.indirect_vreg.gather [hbm4b:s4+s2], $0x80, v3, vm0, $0xb8;
	[tilespmem:$0x18100] =	vst v63  }
0x12c: {  	s14 =	simm.s32 $0xE900  }
0x12d: {  	[tilespmem:s14], [sflag:$0x2] =	stream.indirect_vreg.gather [hbm4b:s5+s2], $0x80, v3, vm0, $0xb8;
	[tilespmem:$0x18100] =	vst v63  }
0x12e: {  	v3 =	vld [tilespmem:$0x90];
	_ =	sdelay $0x4  }
0x12f: {  	v61 =	vshrl.u32 v3, $0x3  }
0x130: {  	v4 =	vmul.u32 $0x30, v61  }
0x131: {  	v3 =	vand.u32 $0x7, v3  }
0x132: {  	v3 =	vor.u32 v3, v4  }
0x133: {  	v4 =	vperm.xlane v3, v0;
	_ =	sdelay $0x1  }
0x134: {  	v4 =	vadd.s32 v1, v4;
	_ =	sdelay $0x3  }
0x135: {  	s8 =	simm.s32 $0xF100;
	v3 =	vperm.xlane v3, v2  }
0x136: {  	[tilespmem:s8], [sflag:$0x2] =	stream.indirect_vreg.gather [hbm4b:s3+s2], $0x80, v4, vm0, $0xb8;
	[tilespmem:$0x18100] =	vst v63  }
0x137: {  	s14 =	simm.s32 $0xF900;
	v3 =	vadd.s32 v1, v3  }
0x138: {  	[tilespmem:s14], [sflag:$0x2] =	stream.indirect_vreg.gather [hbm4b:s4+s2], $0x80, v4, vm0, $0xb8;
	[tilespmem:$0x18100] =	vst v63  }
0x139: {  	s8 =	simm.s32 $0x10100  }
0x13a: {  	[tilespmem:s8], [sflag:$0x2] =	stream.indirect_vreg.gather [hbm4b:s5+s2], $0x80, v4, vm0, $0xb8;
	[tilespmem:$0x18100] =	vst v63  }
0x13b: {  	s14 =	simm.s32 $0x10900  }
0x13c: {  	[tilespmem:s14], [sflag:$0x2] =	stream.indirect_vreg.gather [hbm4b:s3+s2], $0x80, v3, vm0, $0xb8;
	[tilespmem:$0x18100] =	vst v63  }
0x13d: {  	s8 =	simm.s32 $0x11100  }
0x13e: {  	[tilespmem:s8], [sflag:$0x2] =	stream.indirect_vreg.gather [hbm4b:s4+s2], $0x80, v3, vm0, $0xb8;
	[tilespmem:$0x18100] =	vst v63  }
0x13f: {  	s14 =	simm.s32 $0x11900  }
0x140: {  	[tilespmem:s14], [sflag:$0x2] =	stream.indirect_vreg.gather [hbm4b:s5+s2], $0x80, v3, vm0, $0xb8;
	[tilespmem:$0x18100] =	vst v63  }
0x141: {  	v3 =	vld [tilespmem:$0xA0];
	_ =	sdelay $0x4  }
0x142: {  	v62 =	vshrl.u32 v3, $0x3  }
0x143: {  	v4 =	vmul.u32 $0x30, v62  }
0x144: {  	v3 =	vand.u32 $0x7, v3  }
0x145: {  	v3 =	vor.u32 v3, v4  }
0x146: {  	v4 =	vperm.xlane v3, v0;
	_ =	sdelay $0x1  }
0x147: {  	v4 =	vadd.s32 v1, v4;
	_ =	sdelay $0x3  }
0x148: {  	s8 =	simm.s32 $0x12100;
	v3 =	vperm.xlane v3, v2  }
0x149: {  	[tilespmem:s8], [sflag:$0x2] =	stream.indirect_vreg.gather [hbm4b:s3+s2], $0x80, v4, vm0, $0xb8;
	[tilespmem:$0x18100] =	vst v63  }
0x14a: {  	s14 =	simm.s32 $0x12900;
	v3 =	vadd.s32 v1, v3  }
0x14b: {  	[tilespmem:s14], [sflag:$0x2] =	stream.indirect_vreg.gather [hbm4b:s4+s2], $0x80, v4, vm0, $0xb8;
	[tilespmem:$0x18100] =	vst v63  }
0x14c: {  	s8 =	simm.s32 $0x13100  }
0x14d: {  	[tilespmem:s8], [sflag:$0x2] =	stream.indirect_vreg.gather [hbm4b:s5+s2], $0x80, v4, vm0, $0xb8;
	[tilespmem:$0x18100] =	vst v63  }
0x14e: {  	s14 =	simm.s32 $0x13900  }
0x14f: {  	[tilespmem:s14], [sflag:$0x2] =	stream.indirect_vreg.gather [hbm4b:s3+s2], $0x80, v3, vm0, $0xb8;
	[tilespmem:$0x18100] =	vst v63  }
0x150: {  	s8 =	simm.s32 $0x14100  }
0x151: {  	[tilespmem:s8], [sflag:$0x2] =	stream.indirect_vreg.gather [hbm4b:s4+s2], $0x80, v3, vm0, $0xb8;
	[tilespmem:$0x18100] =	vst v63  }
0x152: {  	s14 =	simm.s32 $0x14900  }
0x153: {  	[tilespmem:s14], [sflag:$0x2] =	stream.indirect_vreg.gather [hbm4b:s5+s2], $0x80, v3, vm0, $0xb8;
	[tilespmem:$0x18100] =	vst v63  }
0x154: {  	v3 =	vld [tilespmem:$0xB0];
	_ =	sdelay $0x4  }
0x155: {  	v63 =	vshrl.u32 v3, $0x3  }
0x156: {  	v4 =	vmul.u32 $0x30, v63  }
0x157: {  	v3 =	vand.u32 $0x7, v3  }
0x158: {  	v3 =	vor.u32 v3, v4  }
0x159: {  	v4 =	vperm.xlane v3, v0;
	_ =	sdelay $0x1  }
0x15a: {  	v4 =	vadd.s32 v1, v4;
	_ =	sdelay $0x3  }
0x15b: {  	s8 =	simm.s32 $0x15100;
	v3 =	vperm.xlane v3, v2  }
0x15c: {  	[tilespmem:s8], [sflag:$0x2] =	stream.indirect_vreg.gather [hbm4b:s3+s2], $0x80, v4, vm0, $0xb8;
	[tilespmem:$0x18100] =	vst v63  }
0x15d: {  	s14 =	simm.s32 $0x15900;
	v3 =	vadd.s32 v1, v3  }
0x15e: {  	[tilespmem:s14], [sflag:$0x2] =	stream.indirect_vreg.gather [hbm4b:s4+s2], $0x80, v4, vm0, $0xb8;
	[tilespmem:$0x18100] =	vst v63  }
0x15f: {  	s8 =	simm.s32 $0x16100  }
0x160: {  	[tilespmem:s8], [sflag:$0x2] =	stream.indirect_vreg.gather [hbm4b:s5+s2], $0x80, v4, vm0, $0xb8;
	[tilespmem:$0x18100] =	vst v63  }
0x161: {  	s14 =	simm.s32 $0x16900  }
0x162: {  	[tilespmem:s14], [sflag:$0x2] =	stream.indirect_vreg.gather [hbm4b:s3+s2], $0x80, v3, vm0, $0xb8;
	[tilespmem:$0x18100] =	vst v63  }
0x163: {  	s8 =	simm.s32 $0x17100  }
0x164: {  	[tilespmem:s8], [sflag:$0x2] =	stream.indirect_vreg.gather [hbm4b:s4+s2], $0x80, v3, vm0, $0xb8;
	[tilespmem:$0x18100] =	vst v63  }
0x165: {  	s14 =	simm.s32 $0x17900  }
0x166: {  	[tilespmem:s14], [sflag:$0x2] =	stream.indirect_vreg.gather [hbm4b:s5+s2], $0x80, v3, vm0, $0xb8;
	[tilespmem:$0x18100] =	vst v63  }
0x167: {  	_ =	swait.ge [sflag:s11], $0xC000  }
0x168: {  	[sflag:s11] =	ssyncset.done $0x0  }
0x169: {  	s8 =	simm.s32 $0x100;
	s1 =	rddreg [dreg:$0x8];
	[sflag:s11] =	ssyncadd.s32 $0xFFFF4000  }
0x16a: {  	[hbm4b:s1+s2] =	stream.linear.scatter [tilespmem:s8], [sflag:$0x3], $0xC000, $0x38;
	[tilespmem:$0x18100] =	vst v63  }
0x16b: {  	_ =	swait.ge [sflag:s12], $0xC000  }
0x16c: {  	[sflag:s12] =	ssyncset.done $0x0  }
0x16d: {  	s8 =	rddreg [dreg:$0x9];
	[sflag:s12] =	ssyncadd.s32 $0xFFFF4000  }
0x16e: {  	[hbm4b:s8+s2] =	stream.linear.scatter [tilespmem:s0], [sflag:$0x4], $0xC000, $0x38;
	[tilespmem:$0x18100] =	vst v63  }
0x16f: {  	p0 =	sne.s32 s6, $0x1;
	_ =	swait.ge [sflag:s13], $0xC000  }
.Ltmp0:
0x170: {  	[sflag:s13] =	ssyncset.done $0x0;
	(pc) =	sbr.rel @p0 .LBB2_1-.Ltmp0, $4  }
0x171: {  	[sflag:s13] =	ssyncadd.s32 $0xFFFF4000  }
0x172: {  	_ =	swait.ge [sflag:s9], $0xC000  }
0x173: {  	[sflag:s9] =	ssyncset.done $0x0  }
0x174: {  	s6 =	sadd.s32 $0xFFFFFFFF, s6;
	[sflag:s9] =	ssyncadd.s32 $0xFFFF4000  }
0x175: {  	_ =	sfence.sel $0x180000  }
0x176: {  	[bflag:$0x0] =	sbarrier.arrive $0xFFFF  }
0x177: {  	_ =	strace $0x9000004A  }
0x178: {  	s0 =	stileid.u32;
	[bflag:$0x2] =	sbarrier.arrive $0xFFFF  }
0x179: {  	p0 =	sne.s32 s0, $0x0;
	s0 =	rddreg [dreg:$0x1]  }
0x17a: {  	s0 =	sadd.s32 @!p0 $0x100000, s0  }
0x17b: {  	[sflag:s0] =	ssyncadd.tile.s32 @!p0 $0x1;
	_ =	shalt  }
.Lfunc_end2:
_tile_overlayer_lowered:
.L_overlay_start_2:
0x17c: {  	(tag) =	ssettag $0x2  }
0x17d: {  	s0 =	rddreg [dreg:$0x0];
	s2 =	stileid.u32  }
0x17e: {  	s1 =	rddreg [dreg:$0x1];
	p0 =	sne.s32 s2, $0x0  }
0x17f: {  	s3 =	rddreg [dreg:$0x2];
	[bflag:$0x3] =	sbarrier.arrive $0xFFFF;
	s2 =	simm.s32 @!p0 $0x1C05  }
0x180: {  	[timem:s3], [sflag:s2] =	dma.local @!p0 [hbm:s0], s1  }
0x181: {  	s0 =	simm.s32 @!p0 $0x5  }
0x182: {  	_ =	swait.ge @!p0 [sflag:s0], s1  }
0x183: {  	s1 =	ssub.s32 @!p0 $0x0, s1;
	[sflag:s0] =	ssyncset.done @!p0 $0x0  }
0x184: {  	[sflag:s0] =	ssyncadd.s32 @!p0 s1  }
0x185: {  	[bflag:$0x3] =	sbarrier.arrive $0xFFFF  }
0x186: {  	_ =	shalt  }

// kernel: kernel.7.cloned.1.call-start
scs
__scs_entry_jumppad:
0x0: {  	(pc) =	sbr.rel $0x88, $3  }
0x1: {  	(tag) =	ssettag $0x0;
	lr =	simm.s32 $0x1  }
0x2: {  	[smem:$0x3F9B] =	sst lr;
	_ =	strace $0xD0000000  }
0x3: {  	_ = 	snop  }
0x4: {  	_ = 	snop  }
0x5: {  	_ = 	snop  }
0x6: {  	_ = 	snop  }
0x7: {  	_ = 	snop  }
__scs_overlays_trampoline_lowered:
0x8: {  	[smem:$0x3FAA] =	sst s0  }
0x9: {  	[smem:$0x3FAB] =	sst s1  }
0xa: {  	[smem:$0x3FAC] =	sst s2  }
0xb: {  	[smem:$0x3FAD] =	sst s3  }
0xc: {  	[smem:$0x3FAE] =	sst s4  }
0xd: {  	[smem:$0x3FAF] =	sst s5  }
0xe: {  	[smem:$0x3FB0] =	sst s6  }
0xf: {  	[smem:$0x3FB1] =	sst s7  }
0x10: {  	[smem:$0x3FB2] =	sst s8  }
0x11: {  	[smem:$0x3FB3] =	sst s9;
	s0 =	simm.s32 @!p0 $0x0  }
0x12: {  	s1 =	sld [smem:$0x3F99];
	s0 =	simm.s32 @p0 $0x1  }
0x13: {  	[smem:$0x3FB4] =	sst s0;
	s0 =	simm.s32 @!p1 $0x0  }
0x14: {  	s2 =	sld [smem:$0x3F98];
	s0 =	simm.s32 @p1 $0x1  }
0x15: {  	[smem:$0x3FB5] =	sst s0;
	s0 =	simm.s32 @!p2 $0x0  }
0x16: {  	s3 =	sld [smem:$0x3FDB];
	s0 =	simm.s32 @p2 $0x1  }
0x17: {  	s4 =	simm.s32 $0x1BF5;
	[smem:$0x3FB7] =	sst s0  }
0x18: {  	s0 =	sld [smem:$0x3F9A];
	_ =	swait.ge [sflag:s4], $0x0  }
0x19: {  	s7 =	sld [smem:$0x3F9B]  }
0x1a: {  	s8 =	sadd.s32 $0xFFFFE003, lr  }
0x1b: {  	s9 =	sadd.s32 $0xFFFFFEF7, lr;
	s5 =	simm.s32 $0xFFFFFFFF;
	p2 =	slt.u32 s8, $0xFFFFF086  }
0x1c: {  	p1 =	slt.u32 s9, $0xF7A;
	s5 =	simm.s32 @!p2 $0x0  }
0x1d: {  	s5 =	simm.s32 @p1 $0x1;
	p0 =	seq.s32 s7, s2  }
0x1e: {  	s7 =	smul.u32 @!p0 $0xF7A, s2;
	p2 =	seq.s32 @!p0 s5, $0x0  }
0x1f: {  	s9 =	smul.u32 $0xF7A, s1;
	s8 =	simm.s32 @!p0 $0x1BF5;
	p2 =	por !p2, p0  }
0x20: {  	[sflag:s8] =	ssyncset.s32 @!p0 $0xFFFFF086;
	s6 =	sadd.s32 @!p0 s3, s7;
	s7 =	simm.s32 @!p0 $0x108  }
0x21: {  	s3 =	sadd.s32 s3, s9;
	s6 =	sadd.s32 @!p0 $0x88, s6;
	s7 =	simm.s32 @p2 $0x1082  }
0x22: {  	[simem:s7], [sflag:s8] =	dma.local @!p0 [hbm:s6], $0xF7A  }
0x23: {  	s9 =	sor.u32 $0xD0000000, s2;
	s6 =	simm.s32 $0x108;
	_ =	swait.ge @!p0 [sflag:s8], $0x0  }
0x24: {  	s3 =	sadd.s32 $0x88, s3;
	s6 =	simm.s32 @!p1 $0x1082;
	[sflag:s4] =	ssyncset.s32 $0xFFFFF086  }
0x25: {  	[simem:s6], [sflag:s4] =	dma.local [hbm:s3], $0xF7A  }
0x26: {  	[smem:$0x3F9B] =	sst s1;
	(tag) =	ssettag s2;
	_ =	strace s9  }
0x27: {  	s1 =	sld [smem:$0x3FAB]  }
0x28: {  	s2 =	sld [smem:$0x3FAC]  }
0x29: {  	s4 =	sld [smem:$0x3FAE]  }
0x2a: {  	p0 =	seq.s32 s5, $0x0;
	s5 =	sld [smem:$0x3FAF]  }
0x2b: {  	s6 =	sld [smem:$0x3FB0]  }
0x2c: {  	s7 =	sld [smem:$0x3FB1]  }
0x2d: {  	s3 =	simm.s32 $0x108;
	s8 =	sld [smem:$0x3FB2]  }
0x2e: {  	s3 =	simm.s32 @!p0 $0x1082;
	s9 =	sld [smem:$0x3FB3]  }
0x2f: {  	lr =	sadd.s32 s0, s3;
	s0 =	sld [smem:$0x3FAA]  }
0x30: {  	s3 =	sld [smem:$0x3FAD]  }
0x31: {  	[smem:$0x3FB6] =	sst s10  }
0x32: {  	s10 =	sld [smem:$0x3FB4];
	_ =	sdelay $0x3  }
0x33: {  	p0 =	seq.s32 s10, $0x1;
	s10 =	sld [smem:$0x3FB6];
	_ =	sdelay $0x3  }
0x34: {  	[smem:$0x3FB6] =	sst s10  }
0x35: {  	s10 =	sld [smem:$0x3FB5];
	_ =	sdelay $0x3  }
0x36: {  	p1 =	seq.s32 s10, $0x1;
	s10 =	sld [smem:$0x3FB6];
	_ =	sdelay $0x3  }
0x37: {  	[smem:$0x3FB6] =	sst s10  }
0x38: {  	s10 =	sld [smem:$0x3FB7]  }
0x39: {  	_ = 	snop;
	(pc) =	sbr.ind lr, $3  }
0x3a: {  	_ = 	snop  }
0x3b: {  	_ = 	snop  }
0x3c: {  	p2 =	seq.s32 s10, $0x1;
	s10 =	sld [smem:$0x3FB6]  }
0x3d: {  	_ =	shalt  }
0x3e: {  	_ =	shalt  }
0x3f: {  	_ =	shalt  }
0x40: {  	_ =	shalt  }
0x41: {  	_ =	shalt  }
0x42: {  	_ =	shalt  }
0x43: {  	_ =	shalt  }
0x44: {  	_ =	shalt  }
0x45: {  	_ =	shalt  }
0x46: {  	_ =	shalt  }
0x47: {  	_ =	shalt  }
0x48: {  	_ =	shalt  }
0x49: {  	_ =	shalt  }
0x4a: {  	_ =	shalt  }
0x4b: {  	_ =	shalt  }
0x4c: {  	_ =	shalt  }
0x4d: {  	_ =	shalt  }
0x4e: {  	_ =	shalt  }
0x4f: {  	_ =	shalt  }
0x50: {  	_ =	shalt  }
0x51: {  	_ =	shalt  }
0x52: {  	_ =	shalt  }
0x53: {  	_ =	shalt  }
0x54: {  	_ =	shalt  }
0x55: {  	_ =	shalt  }
0x56: {  	_ =	shalt  }
0x57: {  	_ =	shalt  }
0x58: {  	_ =	shalt  }
0x59: {  	_ =	shalt  }
0x5a: {  	_ =	shalt  }
0x5b: {  	_ =	shalt  }
0x5c: {  	_ =	shalt  }
0x5d: {  	_ =	shalt  }
0x5e: {  	_ =	shalt  }
0x5f: {  	_ =	shalt  }
0x60: {  	_ =	shalt  }
0x61: {  	_ =	shalt  }
0x62: {  	_ =	shalt  }
0x63: {  	_ =	shalt  }
0x64: {  	_ =	shalt  }
0x65: {  	_ =	shalt  }
0x66: {  	_ =	shalt  }
0x67: {  	_ =	shalt  }
0x68: {  	_ =	shalt  }
0x69: {  	_ =	shalt  }
0x6a: {  	_ =	shalt  }
0x6b: {  	_ =	shalt  }
0x6c: {  	_ =	shalt  }
0x6d: {  	_ =	shalt  }
0x6e: {  	_ =	shalt  }
0x6f: {  	_ =	shalt  }
0x70: {  	_ =	shalt  }
0x71: {  	_ =	shalt  }
0x72: {  	_ =	shalt  }
0x73: {  	_ =	shalt  }
0x74: {  	_ =	shalt  }
0x75: {  	_ =	shalt  }
0x76: {  	_ =	shalt  }
0x77: {  	_ =	shalt  }
0x78: {  	_ =	shalt  }
0x79: {  	_ =	shalt  }
0x7a: {  	_ =	shalt  }
0x7b: {  	_ =	shalt  }
0x7c: {  	_ =	shalt  }
0x7d: {  	_ =	shalt  }
0x7e: {  	_ =	shalt  }
0x7f: {  	_ =	shalt  }
0x80: {  	_ =	shalt  }
0x81: {  	_ =	shalt  }
0x82: {  	_ =	shalt  }
0x83: {  	_ =	shalt  }
0x84: {  	_ =	shalt  }
0x85: {  	_ =	shalt  }
0x86: {  	_ =	shalt  }
0x87: {  	_ =	shalt  }
.Lfunc_end0:
.L_simem_size_0:
called_computation_lowered:
.L_overlay_start_0:
0x88: {  	s2 =	sld [smem:$0x3FD9]  }
0x89: {  	s3 =	sld [smem:$0x3FFE];
	_ =	sdelay $0x1  }
0x8a: {  	s1 =	srdreg.scid  }
0x8b: {  	s0 =	sand.u32 $0x1, s1  }
0x8c: {  	s14 =	sshll.u32 s0, $0xA;
	s2 =	sadd.s32 s3, s2  }
0x8d: {  	s2 =	sadd.s32 s2, s14  }
0x8e: {  	[smem:$0x3FC2] =	sst s2  }
0x8f: {  	_ = 	snop  }
0x90: {  	s2 =	sld [smem:$0x3FD0];
	_ =	sdelay $0x2  }
0x91: {  	s15 =	simm.s32 $0xA;
	s4 =	simm.s32 $0x10  }
0x92: {  	[smem:s4], [sflag:s15] =	dma.local [hbm:s2], $0x1  }
0x93: {  	_ =	swait.eq [sflag:s15], $0x1  }
0x94: {  	[sflag:s15] =	ssyncset.done $0x0  }
0x95: {  	s16 =	sld [smem:$0x10];
	[sflag:s15] =	ssyncadd.s32 $0xFFFFFFFF  }
0x96: {  	s17 =	sld [smem:$0x12];
	(tm) =	ssettm $0x1  }
0x97: {  	s18 =	sld [smem:$0x3FFB];
	_ =	sdelay $0x3  }
0x98: {  	_ =	strace s18  }
0x99: {  	s4 =	sld [smem:$0x3FFC];
	_ =	sdelay $0x3  }
0x9a: {  	_ =	strace s4  }
0x9b: {  	s4 =	sld [smem:$0x3FFD];
	_ =	sdelay $0x3  }
0x9c: {  	_ =	strace s4  }
0x9d: {  	_ =	strace $0x8FFFFFFF  }
0x9e: {  	s19 =	sld [smem:$0x3FDB];
	_ =	sdelay $0x1  }
0x9f: {  	s5 =	simm.s32 $_scs_section_size  }
0xa0: {  	s6 =	simm.s32 $_size__tile_overlayer_lowered;
	s7 =	simm.s32 $_tile_overlayer_lowered  }
0xa1: {  	s22 =	simm.s32 $0x1BFF;
	s21 =	sshll.u32 s7, $0x1;
	s4 =	sadd.s32 s5, s19  }
0xa2: {  	s8 =	simm.s32 $0x0;
	s20 =	sshll.u32 s6, $0x1;
	s6 =	sadd.s32 s21, s4  }
0xa3: {  	[timem:s8], [sflag:s22] =	dma.local [hbm:s6], s20  }
0xa4: {  	_ =	swait.ge [sflag:s22], s20  }
0xa5: {  	s5 =	ssub.s32 $0x0, s20;
	[sflag:s22] =	ssyncset.done $0x0  }
0xa6: {  	[sflag:s22] =	ssyncadd.s32 s5;
	_ =	sdelay $0x1  }
0xa7: {  	s23 =	simm.s32 $0x1B8B  }
0xa8: {  	_ =	swait.ge [sflag:s23], $0x1  }
0xa9: {  	[sflag:s23] =	ssyncset.done $0x0  }
0xaa: {  	s25 =	simm.s32 $0x1B8E;
	s24 =	sld [smem:$0x3FFE];
	[sflag:s23] =	ssyncadd.s32 $0xFFFFFFFF  }
0xab: {  	s26 =	simm.s32 $execute0_lowered;
	[smem:$0x3FD2] =	sst s25  }
0xac: {  	s6 =	sshll.u32 s26, $0x1;
	_ =	strace $0x80000046;
	[dreg:$0x1] =	wrdreg $0xFFFFFFFF  }
0xad: {  	s28 =	simm.s32 $_size_execute0_lowered;
	s4 =	sadd.s32 s4, s6;
	[dreg:$0x0] =	wrdreg $0x0  }
0xae: {  	s6 =	sshll.u32 s28, $0x1;
	[dreg:$0x2] =	wrdreg s4  }
0xaf: {  	[dreg:$0x3] =	wrdreg s6  }
0xb0: {  	[dreg:$0x4] =	wrdreg $0xC0  }
0xb1: {  	_ =	task [dreg:s8], $0x5FFFF  }
0xb2: {  	[dreg:$0x1] =	wrdreg $0xFFFFFFFF  }
0xb3: {  	[dreg:$0x0] =	wrdreg $0x60  }
0xb4: {  	[dreg:$0x2] =	wrdreg s16  }
0xb5: {  	[dreg:$0x3] =	wrdreg s24  }
0xb6: {  	[dreg:$0x4] =	wrdreg s17  }
0xb7: {  	[dreg:$0x5] =	wrdreg $0x9  }
0xb8: {  	_ =	task.clear_ibuf [dreg:s8], $0x6FFFF;
	_ =	strace $0x90000046  }
0xb9: {  	s29 =	simm.s32 $0x9;
	_ =	strace $0x80000048  }
0xba: {  	_ =	swait.ge [sflag:s29], $0x1  }
0xbb: {  	[sflag:s29] =	ssyncadd.s32 $0xFFFFFFFF  }
0xbc: {  	_ =	strace $0x90000048  }
0xbd: {  	_ =	sfence  }
0xbe: {  	s30 =	sld [smem:$0x0];
	_ =	sdelay $0x2  }
0xbf: {  	s31 =	sshll.u32 s1, $0xD;
	s1 =	sshrl.u32 s1, $0x2  }
0xc0: {  	s3 =	sand.u32 $0x4000, s31;
	s1 =	sadd.s32 s1, s30  }
0xc1: {  	s0 =	sor.u32 s3, s0;
	s1 =	sshll.u32 s1, $0x11  }
0xc2: {  	s0 =	sor.u32 s1, s0  }
0xc3: {  	s0 =	sadd.s32 $0x8F2B, s0  }
0xc4: {  	[sflag:s0] =	ssyncadd.remote.s32 $0x1  }
0xc5: {  	_ =	sfence.sel $0xFFFF  }
0xc6: {  	[dreg:$0x0] =	wrdreg $0xFFFFFFFF;
	(pc) =	sbr.abs _section_cstart, $3  }
0xc7: {  	[dreg:$0x1] =	wrdreg $0xFFFFFFFF  }
0xc8: {  	_ =	task.clear_ibuf [dreg:s8], $0x2FFFF;
	_ =	strace $0x9FFFFFFF  }
0xc9: {  	(tm) =	ssettm $0x7FFFFFFF  }
tec
execute0_lowered:
.L_overlay_start_1:
0x0: {  	(tag) =	ssettag $0x1  }
0x1: {  	s0 =	srdreg.scid;
	s3 =	rddreg [dreg:$0x0]  }
0x2: {  	s1 =	stileid.u32;
	s5 =	rddreg [dreg:$0x1]  }
0x3: {  	s6 =	rddreg [dreg:$0x2];
	s2 =	simm.s32 $0x0;
	s9 =	simm.s32 $0x5  }
0x4: {  	s28 =	simm.s32 $0x3;
	s29 =	simm.s32 $0x2;
	s30 =	simm.s32 $0x4  }
0x5: {  	s11 =	simm.s32 $0x2100;
	s12 =	simm.s32 $0x2900;
	s13 =	simm.s32 $0x3100  }
0x6: {  	s14 =	simm.s32 $0x3900;
	s15 =	simm.s32 $0x4100;
	s16 =	simm.s32 $0x5100  }
0x7: {  	s17 =	simm.s32 $0x5900;
	s0 =	sand.u32 $0x1, s0;
	s1 =	sshll.u32 s1, $0x1  }
0x8: {  	s18 =	simm.s32 $0x6100;
	s20 =	simm.s32 $0x6900;
	s1 =	sor.u32 s0, s1  }
0x9: {  	s21 =	simm.s32 $0x7100;
	s10 =	simm.s32 $0x9900;
	s1 =	smul.u32 $0x140, s1  }
0xa: {  	s19 =	simm.s32 $0xA100;
	[smem:$0x7FF] =	sst s2;
	s0 =	ssub.s32 $0x2, s0  }
0xb: {  	s4 =	sadd.s32 $0x31600, s5;
	s24 =	sshrl.u32 s0, $0x1;
	s1 =	sshrl.u32 s1, $0x3  }
0xc: {  	_ =	strace $0x80000047;
	s0 =	ssub.s32 s0, s24;
	s7 =	sadd.s32 s3, s1  }
0xd: {  	s24 =	simm.s32 $0x8900;
	s3 =	sadd.s32 $0xA, s7;
	[dreg:$0xa] =	wrdreg s7  }
0xe: {  	s1 =	smul.u32 $0x300, s1;
	s22 =	sadd.s32 $0x14, s7;
	[dreg:$0x4] =	wrdreg s3  }
0xf: {  	s25 =	sadd.s32 $0x1E, s7;
	s7 =	sadd.s32 $0x31800, s5;
	[dreg:$0x5] =	wrdreg s22  }
0x10: {  	s8 =	sadd.s32 s6, s1;
	[dreg:$0x7] =	wrdreg s25;
	s6 =	sadd.s32 $0x31700, s5  }
0x11: {  	s3 =	simm.s32 $0x1;
	s23 =	sadd.s32 $0x1E00, s8;
	[dreg:$0xb] =	wrdreg s8  }
0x12: {  	v2 =	vlaneseq.u32;
	s22 =	simm.s32 $0x7900;
	s26 =	sadd.s32 $0x3C00, s8;
	[dreg:$0x6] =	wrdreg s23  }
0x13: {  	vm0 =	vmmov $0xffff;
	v1 =	vshrl.u32 v2, $0x3;
	s25 =	simm.s32 $0x9100;
	s31 =	sadd.s32 $0x5A00, s8;
	[dreg:$0x8] =	wrdreg s26  }
0x14: {  	v0 =	vand.u32 $0x7, v2;
	v2 =	vor.u32 $0x8, v2;
	v1 =	vmul.u32 $0x8, v1;
	s8 =	smax.u32 s0, $0x1;
	[dreg:$0x9] =	wrdreg s31;
	s23 =	simm.s32 $0x8100  }
.LBB2_1:
0x15: {  	s31 =	rddreg [dreg:$0xa]  }
0x16: {  	[tilespmem:s2], [sflag:$0x5] =	stream.linear.gather [hbm4b:s31+s2], $0x50, $0x38;
	[tilespmem:$0x1E100] =	vst v63  }
0x17: {  	_ =	swait.ge [sflag:s9], $0x50  }
0x18: {  	[sflag:s9] =	ssyncset.done $0x0  }
0x19: {  	[sflag:s9] =	ssyncadd.s32 $0xFFFFFFB0  }
0x1a: {  	v3 =	vld [tilespmem:$0x0];
	_ =	sdelay $0x4  }
0x1b: {  	v4 =	vshrl.u32 v3, $0x3  }
0x1c: {  	v4 =	vmul.u32 $0x30, v4  }
0x1d: {  	v3 =	vand.u32 $0x7, v3  }
0x1e: {  	v3 =	vor.u32 v3, v4  }
0x1f: {  	v4 =	vperm.xlane v3, v0;
	_ =	sdelay $0x1  }
0x20: {  	v4 =	vadd.s32 v1, v4;
	_ =	sdelay $0x3  }
0x21: {  	s0 =	simm.s32 $0x100;
	v3 =	vperm.xlane v3, v2  }
0x22: {  	[tilespmem:s0], [sflag:$0x1] =	stream.indirect_vreg.gather [hbm4b:s4+s2], $0x80, v4, vm0, $0xb8;
	[tilespmem:$0x1E100] =	vst v63  }
0x23: {  	s31 =	simm.s32 $0x900;
	v3 =	vadd.s32 v1, v3  }
0x24: {  	[tilespmem:s31], [sflag:$0x1] =	stream.indirect_vreg.gather [hbm4b:s6+s2], $0x80, v4, vm0, $0xb8;
	[tilespmem:$0x1E100] =	vst v63  }
0x25: {  	s5 =	simm.s32 $0x1100  }
0x26: {  	[tilespmem:s5], [sflag:$0x1] =	stream.indirect_vreg.gather [hbm4b:s7+s2], $0x80, v4, vm0, $0xb8;
	[tilespmem:$0x1E100] =	vst v63  }
0x27: {  	s26 =	simm.s32 $0x1900  }
0x28: {  	[tilespmem:s26], [sflag:$0x1] =	stream.indirect_vreg.gather [hbm4b:s4+s2], $0x80, v3, vm0, $0xb8;
	[tilespmem:$0x1E100] =	vst v63  }
0x29: {  	_ = 	snop  }
0x2a: {  	[tilespmem:s11], [sflag:$0x1] =	stream.indirect_vreg.gather [hbm4b:s6+s2], $0x80, v3, vm0, $0xb8;
	[tilespmem:$0x1E100] =	vst v63  }
0x2b: {  	_ = 	snop  }
0x2c: {  	[tilespmem:s12], [sflag:$0x1] =	stream.indirect_vreg.gather [hbm4b:s7+s2], $0x80, v3, vm0, $0xb8;
	[tilespmem:$0x1E100] =	vst v63  }
0x2d: {  	v3 =	vld [tilespmem:$0x10];
	_ =	sdelay $0x4  }
0x2e: {  	v45 =	vshrl.u32 v3, $0x3  }
0x2f: {  	v4 =	vmul.u32 $0x30, v45  }
0x30: {  	v3 =	vand.u32 $0x7, v3  }
0x31: {  	v3 =	vor.u32 v3, v4  }
0x32: {  	v4 =	vperm.xlane v3, v0;
	_ =	sdelay $0x1  }
0x33: {  	v4 =	vadd.s32 v1, v4;
	_ =	sdelay $0x3  }
0x34: {  	v3 =	vperm.xlane v3, v2  }
0x35: {  	[tilespmem:s13], [sflag:$0x1] =	stream.indirect_vreg.gather [hbm4b:s4+s2], $0x80, v4, vm0, $0xb8;
	[tilespmem:$0x1E100] =	vst v63  }
0x36: {  	v3 =	vadd.s32 v1, v3  }
0x37: {  	[tilespmem:s14], [sflag:$0x1] =	stream.indirect_vreg.gather [hbm4b:s6+s2], $0x80, v4, vm0, $0xb8;
	[tilespmem:$0x1E100] =	vst v63  }
0x38: {  	_ = 	snop  }
0x39: {  	[tilespmem:s15], [sflag:$0x1] =	stream.indirect_vreg.gather [hbm4b:s7+s2], $0x80, v4, vm0, $0xb8;
	[tilespmem:$0x1E100] =	vst v63  }
0x3a: {  	s5 =	simm.s32 $0x4900  }
0x3b: {  	[tilespmem:s5], [sflag:$0x1] =	stream.indirect_vreg.gather [hbm4b:s4+s2], $0x80, v3, vm0, $0xb8;
	[tilespmem:$0x1E100] =	vst v63  }
0x3c: {  	_ = 	snop  }
0x3d: {  	[tilespmem:s16], [sflag:$0x1] =	stream.indirect_vreg.gather [hbm4b:s6+s2], $0x80, v3, vm0, $0xb8;
	[tilespmem:$0x1E100] =	vst v63  }
0x3e: {  	_ = 	snop  }
0x3f: {  	[tilespmem:s17], [sflag:$0x1] =	stream.indirect_vreg.gather [hbm4b:s7+s2], $0x80, v3, vm0, $0xb8;
	[tilespmem:$0x1E100] =	vst v63  }
0x40: {  	v3 =	vld [tilespmem:$0x20];
	_ =	sdelay $0x4  }
0x41: {  	v46 =	vshrl.u32 v3, $0x3  }
0x42: {  	v4 =	vmul.u32 $0x30, v46  }
0x43: {  	v3 =	vand.u32 $0x7, v3  }
0x44: {  	v3 =	vor.u32 v3, v4  }
0x45: {  	v4 =	vperm.xlane v3, v0;
	_ =	sdelay $0x1  }
0x46: {  	v4 =	vadd.s32 v1, v4;
	_ =	sdelay $0x3  }
0x47: {  	v3 =	vperm.xlane v3, v2  }
0x48: {  	[tilespmem:s18], [sflag:$0x1] =	stream.indirect_vreg.gather [hbm4b:s4+s2], $0x80, v4, vm0, $0xb8;
	[tilespmem:$0x1E100] =	vst v63  }
0x49: {  	v3 =	vadd.s32 v1, v3  }
0x4a: {  	[tilespmem:s20], [sflag:$0x1] =	stream.indirect_vreg.gather [hbm4b:s6+s2], $0x80, v4, vm0, $0xb8;
	[tilespmem:$0x1E100] =	vst v63  }
0x4b: {  	_ = 	snop  }
0x4c: {  	[tilespmem:s21], [sflag:$0x1] =	stream.indirect_vreg.gather [hbm4b:s7+s2], $0x80, v4, vm0, $0xb8;
	[tilespmem:$0x1E100] =	vst v63  }
0x4d: {  	_ = 	snop  }
0x4e: {  	[tilespmem:s22], [sflag:$0x1] =	stream.indirect_vreg.gather [hbm4b:s4+s2], $0x80, v3, vm0, $0xb8;
	[tilespmem:$0x1E100] =	vst v63  }
0x4f: {  	_ = 	snop  }
0x50: {  	[tilespmem:s23], [sflag:$0x1] =	stream.indirect_vreg.gather [hbm4b:s6+s2], $0x80, v3, vm0, $0xb8;
	[tilespmem:$0x1E100] =	vst v63  }
0x51: {  	_ = 	snop  }
0x52: {  	[tilespmem:s24], [sflag:$0x1] =	stream.indirect_vreg.gather [hbm4b:s7+s2], $0x80, v3, vm0, $0xb8;
	[tilespmem:$0x1E100] =	vst v63  }
0x53: {  	v3 =	vld [tilespmem:$0x30];
	_ =	sdelay $0x4  }
0x54: {  	v47 =	vshrl.u32 v3, $0x3  }
0x55: {  	v4 =	vmul.u32 $0x30, v47  }
0x56: {  	v3 =	vand.u32 $0x7, v3  }
0x57: {  	v3 =	vor.u32 v3, v4  }
0x58: {  	v4 =	vperm.xlane v3, v0;
	_ =	sdelay $0x1  }
0x59: {  	v4 =	vadd.s32 v1, v4;
	_ =	sdelay $0x3  }
0x5a: {  	v3 =	vperm.xlane v3, v2  }
0x5b: {  	[tilespmem:s25], [sflag:$0x1] =	stream.indirect_vreg.gather [hbm4b:s4+s2], $0x80, v4, vm0, $0xb8;
	[tilespmem:$0x1E100] =	vst v63  }
0x5c: {  	v3 =	vadd.s32 v1, v3  }
0x5d: {  	[tilespmem:s10], [sflag:$0x1] =	stream.indirect_vreg.gather [hbm4b:s6+s2], $0x80, v4, vm0, $0xb8;
	[tilespmem:$0x1E100] =	vst v63  }
0x5e: {  	_ = 	snop  }
0x5f: {  	[tilespmem:s19], [sflag:$0x1] =	stream.indirect_vreg.gather [hbm4b:s7+s2], $0x80, v4, vm0, $0xb8;
	[tilespmem:$0x1E100] =	vst v63  }
0x60: {  	s31 =	simm.s32 $0xA900  }
0x61: {  	[tilespmem:s31], [sflag:$0x1] =	stream.indirect_vreg.gather [hbm4b:s4+s2], $0x80, v3, vm0, $0xb8;
	[tilespmem:$0x1E100] =	vst v63  }
0x62: {  	s26 =	simm.s32 $0xB100  }
0x63: {  	[tilespmem:s26], [sflag:$0x1] =	stream.indirect_vreg.gather [hbm4b:s6+s2], $0x80, v3, vm0, $0xb8;
	[tilespmem:$0x1E100] =	vst v63  }
0x64: {  	s31 =	simm.s32 $0xB900  }
0x65: {  	[tilespmem:s31], [sflag:$0x1] =	stream.indirect_vreg.gather [hbm4b:s7+s2], $0x80, v3, vm0, $0xb8;
	[tilespmem:$0x1E100] =	vst v63  }
0x66: {  	v3 =	vld [tilespmem:$0x40];
	_ =	sdelay $0x4  }
0x67: {  	v48 =	vshrl.u32 v3, $0x3  }
0x68: {  	v4 =	vmul.u32 $0x30, v48  }
0x69: {  	v3 =	vand.u32 $0x7, v3  }
0x6a: {  	v3 =	vor.u32 v3, v4  }
0x6b: {  	v4 =	vperm.xlane v3, v0;
	_ =	sdelay $0x1  }
0x6c: {  	v4 =	vadd.s32 v1, v4;
	_ =	sdelay $0x3  }
0x6d: {  	s26 =	simm.s32 $0xC100;
	v3 =	vperm.xlane v3, v2  }
0x6e: {  	[tilespmem:s26], [sflag:$0x1] =	stream.indirect_vreg.gather [hbm4b:s4+s2], $0x80, v4, vm0, $0xb8;
	[tilespmem:$0x1E100] =	vst v63  }
0x6f: {  	s31 =	simm.s32 $0xC900;
	v3 =	vadd.s32 v1, v3  }
0x70: {  	[tilespmem:s31], [sflag:$0x1] =	stream.indirect_vreg.gather [hbm4b:s6+s2], $0x80, v4, vm0, $0xb8;
	[tilespmem:$0x1E100] =	vst v63  }
0x71: {  	s26 =	simm.s32 $0xD100  }
0x72: {  	[tilespmem:s26], [sflag:$0x1] =	stream.indirect_vreg.gather [hbm4b:s7+s2], $0x80, v4, vm0, $0xb8;
	[tilespmem:$0x1E100] =	vst v63  }
0x73: {  	s31 =	simm.s32 $0xD900  }
0x74: {  	[tilespmem:s31], [sflag:$0x1] =	stream.indirect_vreg.gather [hbm4b:s4+s2], $0x80, v3, vm0, $0xb8;
	[tilespmem:$0x1E100] =	vst v63  }
0x75: {  	s26 =	simm.s32 $0xE100  }
0x76: {  	[tilespmem:s26], [sflag:$0x1] =	stream.indirect_vreg.gather [hbm4b:s6+s2], $0x80, v3, vm0, $0xb8;
	[tilespmem:$0x1E100] =	vst v63  }
0x77: {  	s0 =	simm.s32 $0xE900  }
0x78: {  	[tilespmem:s0], [sflag:$0x1] =	stream.indirect_vreg.gather [hbm4b:s7+s2], $0x80, v3, vm0, $0xb8;
	[tilespmem:$0x1E100] =	vst v63  }
0x79: {  	s31 =	rddreg [dreg:$0x4];
	s26 =	simm.s32 $0x80  }
0x7a: {  	[tilespmem:s26], [sflag:$0x5] =	stream.linear.gather [hbm4b:s31+s2], $0x50, $0x38;
	[tilespmem:$0x1E100] =	vst v63  }
0x7b: {  	_ =	swait.ge [sflag:s9], $0x50  }
0x7c: {  	[sflag:s9] =	ssyncset.done $0x0  }
0x7d: {  	[sflag:s9] =	ssyncadd.s32 $0xFFFFFFB0  }
0x7e: {  	v3 =	vld [tilespmem:$0x80];
	_ =	sdelay $0x4  }
0x7f: {  	v49 =	vshrl.u32 v3, $0x3  }
0x80: {  	v4 =	vmul.u32 $0x30, v49  }
0x81: {  	v3 =	vand.u32 $0x7, v3  }
0x82: {  	v3 =	vor.u32 v3, v4  }
0x83: {  	v4 =	vperm.xlane v3, v0;
	_ =	sdelay $0x1  }
0x84: {  	v4 =	vadd.s32 v1, v4;
	_ =	sdelay $0x3  }
0x85: {  	s26 =	simm.s32 $0xF100;
	v3 =	vperm.xlane v3, v2  }
0x86: {  	[tilespmem:s26], [sflag:$0x2] =	stream.indirect_vreg.gather [hbm4b:s4+s2], $0x80, v4, vm0, $0xb8;
	[tilespmem:$0x1E100] =	vst v63  }
0x87: {  	s31 =	simm.s32 $0xF900;
	v3 =	vadd.s32 v1, v3  }
0x88: {  	[tilespmem:s31], [sflag:$0x2] =	stream.indirect_vreg.gather [hbm4b:s6+s2], $0x80, v4, vm0, $0xb8;
	[tilespmem:$0x1E100] =	vst v63  }
0x89: {  	s31 =	simm.s32 $0x10100  }
0x8a: {  	[tilespmem:s31], [sflag:$0x2] =	stream.indirect_vreg.gather [hbm4b:s7+s2], $0x80, v4, vm0, $0xb8;
	[tilespmem:$0x1E100] =	vst v63  }
0x8b: {  	s31 =	simm.s32 $0x10900  }
0x8c: {  	[tilespmem:s31], [sflag:$0x2] =	stream.indirect_vreg.gather [hbm4b:s4+s2], $0x80, v3, vm0, $0xb8;
	[tilespmem:$0x1E100] =	vst v63  }
0x8d: {  	s31 =	simm.s32 $0x11100  }
0x8e: {  	[tilespmem:s31], [sflag:$0x2] =	stream.indirect_vreg.gather [hbm4b:s6+s2], $0x80, v3, vm0, $0xb8;
	[tilespmem:$0x1E100] =	vst v63  }
0x8f: {  	s31 =	simm.s32 $0x11900  }
0x90: {  	[tilespmem:s31], [sflag:$0x2] =	stream.indirect_vreg.gather [hbm4b:s7+s2], $0x80, v3, vm0, $0xb8;
	[tilespmem:$0x1E100] =	vst v63  }
0x91: {  	v3 =	vld [tilespmem:$0x90];
	_ =	sdelay $0x4  }
0x92: {  	v50 =	vshrl.u32 v3, $0x3  }
0x93: {  	v4 =	vmul.u32 $0x30, v50  }
0x94: {  	v3 =	vand.u32 $0x7, v3  }
0x95: {  	v3 =	vor.u32 v3, v4  }
0x96: {  	v4 =	vperm.xlane v3, v0;
	_ =	sdelay $0x1  }
0x97: {  	v4 =	vadd.s32 v1, v4;
	_ =	sdelay $0x3  }
0x98: {  	s31 =	simm.s32 $0x12100;
	v3 =	vperm.xlane v3, v2  }
0x99: {  	[tilespmem:s31], [sflag:$0x2] =	stream.indirect_vreg.gather [hbm4b:s4+s2], $0x80, v4, vm0, $0xb8;
	[tilespmem:$0x1E100] =	vst v63  }
0x9a: {  	v3 =	vadd.s32 v1, v3;
	s31 =	simm.s32 $0x12900  }
0x9b: {  	[tilespmem:s31], [sflag:$0x2] =	stream.indirect_vreg.gather [hbm4b:s6+s2], $0x80, v4, vm0, $0xb8;
	[tilespmem:$0x1E100] =	vst v63  }
0x9c: {  	s31 =	simm.s32 $0x13100  }
0x9d: {  	[tilespmem:s31], [sflag:$0x2] =	stream.indirect_vreg.gather [hbm4b:s7+s2], $0x80, v4, vm0, $0xb8;
	[tilespmem:$0x1E100] =	vst v63  }
0x9e: {  	s31 =	simm.s32 $0x13900  }
0x9f: {  	[tilespmem:s31], [sflag:$0x2] =	stream.indirect_vreg.gather [hbm4b:s4+s2], $0x80, v3, vm0, $0xb8;
	[tilespmem:$0x1E100] =	vst v63  }
0xa0: {  	s31 =	simm.s32 $0x14100  }
0xa1: {  	[tilespmem:s31], [sflag:$0x2] =	stream.indirect_vreg.gather [hbm4b:s6+s2], $0x80, v3, vm0, $0xb8;
	[tilespmem:$0x1E100] =	vst v63  }
0xa2: {  	s31 =	simm.s32 $0x14900  }
0xa3: {  	[tilespmem:s31], [sflag:$0x2] =	stream.indirect_vreg.gather [hbm4b:s7+s2], $0x80, v3, vm0, $0xb8;
	[tilespmem:$0x1E100] =	vst v63  }
0xa4: {  	v3 =	vld [tilespmem:$0xA0];
	_ =	sdelay $0x4  }
0xa5: {  	v51 =	vshrl.u32 v3, $0x3  }
0xa6: {  	v4 =	vmul.u32 $0x30, v51  }
0xa7: {  	v3 =	vand.u32 $0x7, v3  }
0xa8: {  	v3 =	vor.u32 v3, v4  }
0xa9: {  	v4 =	vperm.xlane v3, v0;
	_ =	sdelay $0x1  }
0xaa: {  	v4 =	vadd.s32 v1, v4;
	_ =	sdelay $0x3  }
0xab: {  	s31 =	simm.s32 $0x15100;
	v3 =	vperm.xlane v3, v2  }
0xac: {  	[tilespmem:s31], [sflag:$0x2] =	stream.indirect_vreg.gather [hbm4b:s4+s2], $0x80, v4, vm0, $0xb8;
	[tilespmem:$0x1E100] =	vst v63  }
0xad: {  	v3 =	vadd.s32 v1, v3;
	s31 =	simm.s32 $0x15900  }
0xae: {  	[tilespmem:s31], [sflag:$0x2] =	stream.indirect_vreg.gather [hbm4b:s6+s2], $0x80, v4, vm0, $0xb8;
	[tilespmem:$0x1E100] =	vst v63  }
0xaf: {  	s31 =	simm.s32 $0x16100  }
0xb0: {  	[tilespmem:s31], [sflag:$0x2] =	stream.indirect_vreg.gather [hbm4b:s7+s2], $0x80, v4, vm0, $0xb8;
	[tilespmem:$0x1E100] =	vst v63  }
0xb1: {  	s31 =	simm.s32 $0x16900  }
0xb2: {  	[tilespmem:s31], [sflag:$0x2] =	stream.indirect_vreg.gather [hbm4b:s4+s2], $0x80, v3, vm0, $0xb8;
	[tilespmem:$0x1E100] =	vst v63  }
0xb3: {  	s31 =	simm.s32 $0x17100  }
0xb4: {  	[tilespmem:s31], [sflag:$0x2] =	stream.indirect_vreg.gather [hbm4b:s6+s2], $0x80, v3, vm0, $0xb8;
	[tilespmem:$0x1E100] =	vst v63  }
0xb5: {  	s31 =	simm.s32 $0x17900  }
0xb6: {  	[tilespmem:s31], [sflag:$0x2] =	stream.indirect_vreg.gather [hbm4b:s7+s2], $0x80, v3, vm0, $0xb8;
	[tilespmem:$0x1E100] =	vst v63  }
0xb7: {  	v3 =	vld [tilespmem:$0xB0];
	_ =	sdelay $0x4  }
0xb8: {  	v52 =	vshrl.u32 v3, $0x3  }
0xb9: {  	v4 =	vmul.u32 $0x30, v52  }
0xba: {  	v3 =	vand.u32 $0x7, v3  }
0xbb: {  	v3 =	vor.u32 v3, v4  }
0xbc: {  	v4 =	vperm.xlane v3, v0;
	_ =	sdelay $0x1  }
0xbd: {  	v4 =	vadd.s32 v1, v4;
	_ =	sdelay $0x3  }
0xbe: {  	s31 =	simm.s32 $0x18100;
	v3 =	vperm.xlane v3, v2  }
0xbf: {  	[tilespmem:s31], [sflag:$0x2] =	stream.indirect_vreg.gather [hbm4b:s4+s2], $0x80, v4, vm0, $0xb8;
	[tilespmem:$0x1E100] =	vst v63  }
0xc0: {  	v3 =	vadd.s32 v1, v3;
	s31 =	simm.s32 $0x18900  }
0xc1: {  	[tilespmem:s31], [sflag:$0x2] =	stream.indirect_vreg.gather [hbm4b:s6+s2], $0x80, v4, vm0, $0xb8;
	[tilespmem:$0x1E100] =	vst v63  }
0xc2: {  	s31 =	simm.s32 $0x19100  }
0xc3: {  	[tilespmem:s31], [sflag:$0x2] =	stream.indirect_vreg.gather [hbm4b:s7+s2], $0x80, v4, vm0, $0xb8;
	[tilespmem:$0x1E100] =	vst v63  }
0xc4: {  	s31 =	simm.s32 $0x19900  }
0xc5: {  	[tilespmem:s31], [sflag:$0x2] =	stream.indirect_vreg.gather [hbm4b:s4+s2], $0x80, v3, vm0, $0xb8;
	[tilespmem:$0x1E100] =	vst v63  }
0xc6: {  	s31 =	simm.s32 $0x1A100  }
0xc7: {  	[tilespmem:s31], [sflag:$0x2] =	stream.indirect_vreg.gather [hbm4b:s6+s2], $0x80, v3, vm0, $0xb8;
	[tilespmem:$0x1E100] =	vst v63  }
0xc8: {  	s31 =	simm.s32 $0x1A900  }
0xc9: {  	[tilespmem:s31], [sflag:$0x2] =	stream.indirect_vreg.gather [hbm4b:s7+s2], $0x80, v3, vm0, $0xb8;
	[tilespmem:$0x1E100] =	vst v63  }
0xca: {  	v3 =	vld [tilespmem:$0xC0];
	_ =	sdelay $0x4  }
0xcb: {  	v53 =	vshrl.u32 v3, $0x3  }
0xcc: {  	v4 =	vmul.u32 $0x30, v53  }
0xcd: {  	v3 =	vand.u32 $0x7, v3  }
0xce: {  	v3 =	vor.u32 v3, v4  }
0xcf: {  	v4 =	vperm.xlane v3, v0;
	_ =	sdelay $0x1  }
0xd0: {  	v4 =	vadd.s32 v1, v4;
	_ =	sdelay $0x3  }
0xd1: {  	s31 =	simm.s32 $0x1B100;
	v3 =	vperm.xlane v3, v2  }
0xd2: {  	[tilespmem:s31], [sflag:$0x2] =	stream.indirect_vreg.gather [hbm4b:s4+s2], $0x80, v4, vm0, $0xb8;
	[tilespmem:$0x1E100] =	vst v63  }
0xd3: {  	v3 =	vadd.s32 v1, v3;
	s31 =	simm.s32 $0x1B900  }
0xd4: {  	[tilespmem:s31], [sflag:$0x2] =	stream.indirect_vreg.gather [hbm4b:s6+s2], $0x80, v4, vm0, $0xb8;
	[tilespmem:$0x1E100] =	vst v63  }
0xd5: {  	s31 =	simm.s32 $0x1C100  }
0xd6: {  	[tilespmem:s31], [sflag:$0x2] =	stream.indirect_vreg.gather [hbm4b:s7+s2], $0x80, v4, vm0, $0xb8;
	[tilespmem:$0x1E100] =	vst v63  }
0xd7: {  	s31 =	simm.s32 $0x1C900  }
0xd8: {  	[tilespmem:s31], [sflag:$0x2] =	stream.indirect_vreg.gather [hbm4b:s4+s2], $0x80, v3, vm0, $0xb8;
	[tilespmem:$0x1E100] =	vst v63  }
0xd9: {  	s31 =	simm.s32 $0x1D100  }
0xda: {  	[tilespmem:s31], [sflag:$0x2] =	stream.indirect_vreg.gather [hbm4b:s6+s2], $0x80, v3, vm0, $0xb8;
	[tilespmem:$0x1E100] =	vst v63  }
0xdb: {  	s31 =	simm.s32 $0x1D900  }
0xdc: {  	[tilespmem:s31], [sflag:$0x2] =	stream.indirect_vreg.gather [hbm4b:s7+s2], $0x80, v3, vm0, $0xb8;
	[tilespmem:$0x1E100] =	vst v63  }
0xdd: {  	_ =	swait.ge [sflag:s3], $0xF000  }
0xde: {  	[sflag:s3] =	ssyncset.done $0x0  }
0xdf: {  	s1 =	simm.s32 $0x100;
	s31 =	rddreg [dreg:$0xb];
	[sflag:s3] =	ssyncadd.s32 $0xFFFF1000  }
0xe0: {  	[hbm4b:s31+s2] =	stream.linear.scatter [tilespmem:s1], [sflag:$0x3], $0xF000, $0x38;
	[tilespmem:$0x1E100] =	vst v63  }
0xe1: {  	_ =	swait.ge [sflag:s28], $0xF000  }
0xe2: {  	[sflag:s28] =	ssyncset.done $0x0  }
0xe3: {  	s31 =	rddreg [dreg:$0x5];
	[sflag:s28] =	ssyncadd.s32 $0xFFFF1000  }
0xe4: {  	[tilespmem:s2], [sflag:$0x5] =	stream.linear.gather [hbm4b:s31+s2], $0x50, $0x38;
	[tilespmem:$0x1E100] =	vst v63  }
0xe5: {  	_ =	swait.ge [sflag:s9], $0x50  }
0xe6: {  	[sflag:s9] =	ssyncset.done $0x0  }
0xe7: {  	[sflag:s9] =	ssyncadd.s32 $0xFFFFFFB0  }
0xe8: {  	v3 =	vld [tilespmem:$0x0];
	_ =	sdelay $0x4  }
0xe9: {  	v54 =	vshrl.u32 v3, $0x3  }
0xea: {  	v4 =	vmul.u32 $0x30, v54  }
0xeb: {  	v3 =	vand.u32 $0x7, v3  }
0xec: {  	v3 =	vor.u32 v3, v4  }
0xed: {  	v4 =	vperm.xlane v3, v0;
	_ =	sdelay $0x1  }
0xee: {  	v4 =	vadd.s32 v1, v4;
	_ =	sdelay $0x3  }
0xef: {  	v3 =	vperm.xlane v3, v2  }
0xf0: {  	[tilespmem:s1], [sflag:$0x1] =	stream.indirect_vreg.gather [hbm4b:s4+s2], $0x80, v4, vm0, $0xb8;
	[tilespmem:$0x1E100] =	vst v63  }
0xf1: {  	s31 =	simm.s32 $0x900;
	v3 =	vadd.s32 v1, v3  }
0xf2: {  	[tilespmem:s31], [sflag:$0x1] =	stream.indirect_vreg.gather [hbm4b:s6+s2], $0x80, v4, vm0, $0xb8;
	[tilespmem:$0x1E100] =	vst v63  }
0xf3: {  	s31 =	simm.s32 $0x1100  }
0xf4: {  	[tilespmem:s31], [sflag:$0x1] =	stream.indirect_vreg.gather [hbm4b:s7+s2], $0x80, v4, vm0, $0xb8;
	[tilespmem:$0x1E100] =	vst v63  }
0xf5: {  	s31 =	simm.s32 $0x1900  }
0xf6: {  	[tilespmem:s31], [sflag:$0x1] =	stream.indirect_vreg.gather [hbm4b:s4+s2], $0x80, v3, vm0, $0xb8;
	[tilespmem:$0x1E100] =	vst v63  }
0xf7: {  	_ = 	snop  }
0xf8: {  	[tilespmem:s11], [sflag:$0x1] =	stream.indirect_vreg.gather [hbm4b:s6+s2], $0x80, v3, vm0, $0xb8;
	[tilespmem:$0x1E100] =	vst v63  }
0xf9: {  	_ = 	snop  }
0xfa: {  	[tilespmem:s12], [sflag:$0x1] =	stream.indirect_vreg.gather [hbm4b:s7+s2], $0x80, v3, vm0, $0xb8;
	[tilespmem:$0x1E100] =	vst v63  }
0xfb: {  	v3 =	vld [tilespmem:$0x10];
	_ =	sdelay $0x4  }
0xfc: {  	v55 =	vshrl.u32 v3, $0x3  }
0xfd: {  	v4 =	vmul.u32 $0x30, v55  }
0xfe: {  	v3 =	vand.u32 $0x7, v3  }
0xff: {  	v3 =	vor.u32 v3, v4  }
0x100: {  	v4 =	vperm.xlane v3, v0;
	_ =	sdelay $0x1  }
0x101: {  	v4 =	vadd.s32 v1, v4;
	_ =	sdelay $0x3  }
0x102: {  	v3 =	vperm.xlane v3, v2  }
0x103: {  	[tilespmem:s13], [sflag:$0x1] =	stream.indirect_vreg.gather [hbm4b:s4+s2], $0x80, v4, vm0, $0xb8;
	[tilespmem:$0x1E100] =	vst v63  }
0x104: {  	v3 =	vadd.s32 v1, v3  }
0x105: {  	[tilespmem:s14], [sflag:$0x1] =	stream.indirect_vreg.gather [hbm4b:s6+s2], $0x80, v4, vm0, $0xb8;
	[tilespmem:$0x1E100] =	vst v63  }
0x106: {  	_ = 	snop  }
0x107: {  	[tilespmem:s15], [sflag:$0x1] =	stream.indirect_vreg.gather [hbm4b:s7+s2], $0x80, v4, vm0, $0xb8;
	[tilespmem:$0x1E100] =	vst v63  }
0x108: {  	_ = 	snop  }
0x109: {  	[tilespmem:s5], [sflag:$0x1] =	stream.indirect_vreg.gather [hbm4b:s4+s2], $0x80, v3, vm0, $0xb8;
	[tilespmem:$0x1E100] =	vst v63  }
0x10a: {  	_ = 	snop  }
0x10b: {  	[tilespmem:s16], [sflag:$0x1] =	stream.indirect_vreg.gather [hbm4b:s6+s2], $0x80, v3, vm0, $0xb8;
	[tilespmem:$0x1E100] =	vst v63  }
0x10c: {  	_ = 	snop  }
0x10d: {  	[tilespmem:s17], [sflag:$0x1] =	stream.indirect_vreg.gather [hbm4b:s7+s2], $0x80, v3, vm0, $0xb8;
	[tilespmem:$0x1E100] =	vst v63  }
0x10e: {  	v3 =	vld [tilespmem:$0x20];
	_ =	sdelay $0x4  }
0x10f: {  	v56 =	vshrl.u32 v3, $0x3  }
0x110: {  	v4 =	vmul.u32 $0x30, v56  }
0x111: {  	v3 =	vand.u32 $0x7, v3  }
0x112: {  	v3 =	vor.u32 v3, v4  }
0x113: {  	v4 =	vperm.xlane v3, v0;
	_ =	sdelay $0x1  }
0x114: {  	v4 =	vadd.s32 v1, v4;
	_ =	sdelay $0x3  }
0x115: {  	v3 =	vperm.xlane v3, v2  }
0x116: {  	[tilespmem:s18], [sflag:$0x1] =	stream.indirect_vreg.gather [hbm4b:s4+s2], $0x80, v4, vm0, $0xb8;
	[tilespmem:$0x1E100] =	vst v63  }
0x117: {  	v3 =	vadd.s32 v1, v3  }
0x118: {  	[tilespmem:s20], [sflag:$0x1] =	stream.indirect_vreg.gather [hbm4b:s6+s2], $0x80, v4, vm0, $0xb8;
	[tilespmem:$0x1E100] =	vst v63  }
0x119: {  	_ = 	snop  }
0x11a: {  	[tilespmem:s21], [sflag:$0x1] =	stream.indirect_vreg.gather [hbm4b:s7+s2], $0x80, v4, vm0, $0xb8;
	[tilespmem:$0x1E100] =	vst v63  }
0x11b: {  	_ = 	snop  }
0x11c: {  	[tilespmem:s22], [sflag:$0x1] =	stream.indirect_vreg.gather [hbm4b:s4+s2], $0x80, v3, vm0, $0xb8;
	[tilespmem:$0x1E100] =	vst v63  }
0x11d: {  	_ = 	snop  }
0x11e: {  	[tilespmem:s23], [sflag:$0x1] =	stream.indirect_vreg.gather [hbm4b:s6+s2], $0x80, v3, vm0, $0xb8;
	[tilespmem:$0x1E100] =	vst v63  }
0x11f: {  	_ = 	snop  }
0x120: {  	[tilespmem:s24], [sflag:$0x1] =	stream.indirect_vreg.gather [hbm4b:s7+s2], $0x80, v3, vm0, $0xb8;
	[tilespmem:$0x1E100] =	vst v63  }
0x121: {  	v3 =	vld [tilespmem:$0x30];
	_ =	sdelay $0x4  }
0x122: {  	v57 =	vshrl.u32 v3, $0x3  }
0x123: {  	v4 =	vmul.u32 $0x30, v57  }
0x124: {  	v3 =	vand.u32 $0x7, v3  }
0x125: {  	v3 =	vor.u32 v3, v4  }
0x126: {  	v4 =	vperm.xlane v3, v0;
	_ =	sdelay $0x1  }
0x127: {  	v4 =	vadd.s32 v1, v4;
	_ =	sdelay $0x3  }
0x128: {  	v3 =	vperm.xlane v3, v2  }
0x129: {  	[tilespmem:s25], [sflag:$0x1] =	stream.indirect_vreg.gather [hbm4b:s4+s2], $0x80, v4, vm0, $0xb8;
	[tilespmem:$0x1E100] =	vst v63  }
0x12a: {  	v3 =	vadd.s32 v1, v3  }
0x12b: {  	[tilespmem:s10], [sflag:$0x1] =	stream.indirect_vreg.gather [hbm4b:s6+s2], $0x80, v4, vm0, $0xb8;
	[tilespmem:$0x1E100] =	vst v63  }
0x12c: {  	_ = 	snop  }
0x12d: {  	[tilespmem:s19], [sflag:$0x1] =	stream.indirect_vreg.gather [hbm4b:s7+s2], $0x80, v4, vm0, $0xb8;
	[tilespmem:$0x1E100] =	vst v63  }
0x12e: {  	s31 =	simm.s32 $0xA900  }
0x12f: {  	[tilespmem:s31], [sflag:$0x1] =	stream.indirect_vreg.gather [hbm4b:s4+s2], $0x80, v3, vm0, $0xb8;
	[tilespmem:$0x1E100] =	vst v63  }
0x130: {  	s31 =	simm.s32 $0xB100  }
0x131: {  	[tilespmem:s31], [sflag:$0x1] =	stream.indirect_vreg.gather [hbm4b:s6+s2], $0x80, v3, vm0, $0xb8;
	[tilespmem:$0x1E100] =	vst v63  }
0x132: {  	s31 =	simm.s32 $0xB900  }
0x133: {  	[tilespmem:s31], [sflag:$0x1] =	stream.indirect_vreg.gather [hbm4b:s7+s2], $0x80, v3, vm0, $0xb8;
	[tilespmem:$0x1E100] =	vst v63  }
0x134: {  	v3 =	vld [tilespmem:$0x40];
	_ =	sdelay $0x4  }
0x135: {  	v58 =	vshrl.u32 v3, $0x3  }
0x136: {  	v4 =	vmul.u32 $0x30, v58  }
0x137: {  	v3 =	vand.u32 $0x7, v3  }
0x138: {  	v3 =	vor.u32 v3, v4  }
0x139: {  	v4 =	vperm.xlane v3, v0;
	_ =	sdelay $0x1  }
0x13a: {  	v4 =	vadd.s32 v1, v4;
	_ =	sdelay $0x3  }
0x13b: {  	s31 =	simm.s32 $0xC100;
	v3 =	vperm.xlane v3, v2  }
0x13c: {  	[tilespmem:s31], [sflag:$0x1] =	stream.indirect_vreg.gather [hbm4b:s4+s2], $0x80, v4, vm0, $0xb8;
	[tilespmem:$0x1E100] =	vst v63  }
0x13d: {  	v3 =	vadd.s32 v1, v3;
	s31 =	simm.s32 $0xC900  }
0x13e: {  	[tilespmem:s31], [sflag:$0x1] =	stream.indirect_vreg.gather [hbm4b:s6+s2], $0x80, v4, vm0, $0xb8;
	[tilespmem:$0x1E100] =	vst v63  }
0x13f: {  	s31 =	simm.s32 $0xD100  }
0x140: {  	[tilespmem:s31], [sflag:$0x1] =	stream.indirect_vreg.gather [hbm4b:s7+s2], $0x80, v4, vm0, $0xb8;
	[tilespmem:$0x1E100] =	vst v63  }
0x141: {  	s31 =	simm.s32 $0xD900  }
0x142: {  	[tilespmem:s31], [sflag:$0x1] =	stream.indirect_vreg.gather [hbm4b:s4+s2], $0x80, v3, vm0, $0xb8;
	[tilespmem:$0x1E100] =	vst v63  }
0x143: {  	s31 =	simm.s32 $0xE100  }
0x144: {  	[tilespmem:s31], [sflag:$0x1] =	stream.indirect_vreg.gather [hbm4b:s6+s2], $0x80, v3, vm0, $0xb8;
	[tilespmem:$0x1E100] =	vst v63  }
0x145: {  	_ = 	snop  }
0x146: {  	[tilespmem:s0], [sflag:$0x1] =	stream.indirect_vreg.gather [hbm4b:s7+s2], $0x80, v3, vm0, $0xb8;
	[tilespmem:$0x1E100] =	vst v63  }
0x147: {  	_ =	swait.ge [sflag:s29], $0xF000  }
0x148: {  	[sflag:s29] =	ssyncset.done $0x0  }
0x149: {  	s5 =	rddreg [dreg:$0x6];
	[sflag:s29] =	ssyncadd.s32 $0xFFFF1000  }
0x14a: {  	[hbm4b:s5+s2] =	stream.linear.scatter [tilespmem:s26], [sflag:$0x4], $0xF000, $0x38;
	[tilespmem:$0x1E100] =	vst v63  }
0x14b: {  	_ =	swait.ge [sflag:s30], $0xF000  }
0x14c: {  	[sflag:s30] =	ssyncset.done $0x0  }
0x14d: {  	s5 =	simm.s32 $0x80;
	s0 =	rddreg [dreg:$0x7];
	[sflag:s30] =	ssyncadd.s32 $0xFFFF1000  }
0x14e: {  	[tilespmem:s5], [sflag:$0x5] =	stream.linear.gather [hbm4b:s0+s2], $0x50, $0x38;
	[tilespmem:$0x1E100] =	vst v63  }
0x14f: {  	_ =	swait.ge [sflag:s9], $0x50  }
0x150: {  	[sflag:s9] =	ssyncset.done $0x0  }
0x151: {  	[sflag:s9] =	ssyncadd.s32 $0xFFFFFFB0  }
0x152: {  	v3 =	vld [tilespmem:$0x80];
	_ =	sdelay $0x4  }
0x153: {  	v59 =	vshrl.u32 v3, $0x3  }
0x154: {  	v4 =	vmul.u32 $0x30, v59  }
0x155: {  	v3 =	vand.u32 $0x7, v3  }
0x156: {  	v3 =	vor.u32 v3, v4  }
0x157: {  	v4 =	vperm.xlane v3, v0;
	_ =	sdelay $0x1  }
0x158: {  	v4 =	vadd.s32 v1, v4;
	_ =	sdelay $0x3  }
0x159: {  	v3 =	vperm.xlane v3, v2  }
0x15a: {  	[tilespmem:s26], [sflag:$0x2] =	stream.indirect_vreg.gather [hbm4b:s4+s2], $0x80, v4, vm0, $0xb8;
	[tilespmem:$0x1E100] =	vst v63  }
0x15b: {  	s31 =	simm.s32 $0xF900;
	v3 =	vadd.s32 v1, v3  }
0x15c: {  	[tilespmem:s31], [sflag:$0x2] =	stream.indirect_vreg.gather [hbm4b:s6+s2], $0x80, v4, vm0, $0xb8;
	[tilespmem:$0x1E100] =	vst v63  }
0x15d: {  	s5 =	simm.s32 $0x10100  }
0x15e: {  	[tilespmem:s5], [sflag:$0x2] =	stream.indirect_vreg.gather [hbm4b:s7+s2], $0x80, v4, vm0, $0xb8;
	[tilespmem:$0x1E100] =	vst v63  }
0x15f: {  	s31 =	simm.s32 $0x10900  }
0x160: {  	[tilespmem:s31], [sflag:$0x2] =	stream.indirect_vreg.gather [hbm4b:s4+s2], $0x80, v3, vm0, $0xb8;
	[tilespmem:$0x1E100] =	vst v63  }
0x161: {  	s5 =	simm.s32 $0x11100  }
0x162: {  	[tilespmem:s5], [sflag:$0x2] =	stream.indirect_vreg.gather [hbm4b:s6+s2], $0x80, v3, vm0, $0xb8;
	[tilespmem:$0x1E100] =	vst v63  }
0x163: {  	s31 =	simm.s32 $0x11900  }
0x164: {  	[tilespmem:s31], [sflag:$0x2] =	stream.indirect_vreg.gather [hbm4b:s7+s2], $0x80, v3, vm0, $0xb8;
	[tilespmem:$0x1E100] =	vst v63  }
0x165: {  	v3 =	vld [tilespmem:$0x90];
	_ =	sdelay $0x4  }
0x166: {  	v60 =	vshrl.u32 v3, $0x3  }
0x167: {  	v4 =	vmul.u32 $0x30, v60  }
0x168: {  	v3 =	vand.u32 $0x7, v3  }
0x169: {  	v3 =	vor.u32 v3, v4  }
0x16a: {  	v4 =	vperm.xlane v3, v0;
	_ =	sdelay $0x1  }
0x16b: {  	v4 =	vadd.s32 v1, v4;
	_ =	sdelay $0x3  }
0x16c: {  	s5 =	simm.s32 $0x12100;
	v3 =	vperm.xlane v3, v2  }
0x16d: {  	[tilespmem:s5], [sflag:$0x2] =	stream.indirect_vreg.gather [hbm4b:s4+s2], $0x80, v4, vm0, $0xb8;
	[tilespmem:$0x1E100] =	vst v63  }
0x16e: {  	s31 =	simm.s32 $0x12900;
	v3 =	vadd.s32 v1, v3  }
0x16f: {  	[tilespmem:s31], [sflag:$0x2] =	stream.indirect_vreg.gather [hbm4b:s6+s2], $0x80, v4, vm0, $0xb8;
	[tilespmem:$0x1E100] =	vst v63  }
0x170: {  	s5 =	simm.s32 $0x13100  }
0x171: {  	[tilespmem:s5], [sflag:$0x2] =	stream.indirect_vreg.gather [hbm4b:s7+s2], $0x80, v4, vm0, $0xb8;
	[tilespmem:$0x1E100] =	vst v63  }
0x172: {  	s31 =	simm.s32 $0x13900  }
0x173: {  	[tilespmem:s31], [sflag:$0x2] =	stream.indirect_vreg.gather [hbm4b:s4+s2], $0x80, v3, vm0, $0xb8;
	[tilespmem:$0x1E100] =	vst v63  }
0x174: {  	s5 =	simm.s32 $0x14100  }
0x175: {  	[tilespmem:s5], [sflag:$0x2] =	stream.indirect_vreg.gather [hbm4b:s6+s2], $0x80, v3, vm0, $0xb8;
	[tilespmem:$0x1E100] =	vst v63  }
0x176: {  	s31 =	simm.s32 $0x14900  }
0x177: {  	[tilespmem:s31], [sflag:$0x2] =	stream.indirect_vreg.gather [hbm4b:s7+s2], $0x80, v3, vm0, $0xb8;
	[tilespmem:$0x1E100] =	vst v63  }
0x178: {  	v3 =	vld [tilespmem:$0xA0];
	_ =	sdelay $0x4  }
0x179: {  	v61 =	vshrl.u32 v3, $0x3  }
0x17a: {  	v4 =	vmul.u32 $0x30, v61  }
0x17b: {  	v3 =	vand.u32 $0x7, v3  }
0x17c: {  	v3 =	vor.u32 v3, v4  }
0x17d: {  	v4 =	vperm.xlane v3, v0;
	_ =	sdelay $0x1  }
0x17e: {  	v4 =	vadd.s32 v1, v4;
	_ =	sdelay $0x3  }
0x17f: {  	s5 =	simm.s32 $0x15100;
	v3 =	vperm.xlane v3, v2  }
0x180: {  	[tilespmem:s5], [sflag:$0x2] =	stream.indirect_vreg.gather [hbm4b:s4+s2], $0x80, v4, vm0, $0xb8;
	[tilespmem:$0x1E100] =	vst v63  }
0x181: {  	s31 =	simm.s32 $0x15900;
	v3 =	vadd.s32 v1, v3  }
0x182: {  	[tilespmem:s31], [sflag:$0x2] =	stream.indirect_vreg.gather [hbm4b:s6+s2], $0x80, v4, vm0, $0xb8;
	[tilespmem:$0x1E100] =	vst v63  }
0x183: {  	s5 =	simm.s32 $0x16100  }
0x184: {  	[tilespmem:s5], [sflag:$0x2] =	stream.indirect_vreg.gather [hbm4b:s7+s2], $0x80, v4, vm0, $0xb8;
	[tilespmem:$0x1E100] =	vst v63  }
0x185: {  	s31 =	simm.s32 $0x16900  }
0x186: {  	[tilespmem:s31], [sflag:$0x2] =	stream.indirect_vreg.gather [hbm4b:s4+s2], $0x80, v3, vm0, $0xb8;
	[tilespmem:$0x1E100] =	vst v63  }
0x187: {  	s5 =	simm.s32 $0x17100  }
0x188: {  	[tilespmem:s5], [sflag:$0x2] =	stream.indirect_vreg.gather [hbm4b:s6+s2], $0x80, v3, vm0, $0xb8;
	[tilespmem:$0x1E100] =	vst v63  }
0x189: {  	s31 =	simm.s32 $0x17900  }
0x18a: {  	[tilespmem:s31], [sflag:$0x2] =	stream.indirect_vreg.gather [hbm4b:s7+s2], $0x80, v3, vm0, $0xb8;
	[tilespmem:$0x1E100] =	vst v63  }
0x18b: {  	v3 =	vld [tilespmem:$0xB0];
	_ =	sdelay $0x4  }
0x18c: {  	v62 =	vshrl.u32 v3, $0x3  }
0x18d: {  	v4 =	vmul.u32 $0x30, v62  }
0x18e: {  	v3 =	vand.u32 $0x7, v3  }
0x18f: {  	v3 =	vor.u32 v3, v4  }
0x190: {  	v4 =	vperm.xlane v3, v0;
	_ =	sdelay $0x1  }
0x191: {  	v4 =	vadd.s32 v1, v4;
	_ =	sdelay $0x3  }
0x192: {  	s5 =	simm.s32 $0x18100;
	v3 =	vperm.xlane v3, v2  }
0x193: {  	[tilespmem:s5], [sflag:$0x2] =	stream.indirect_vreg.gather [hbm4b:s4+s2], $0x80, v4, vm0, $0xb8;
	[tilespmem:$0x1E100] =	vst v63  }
0x194: {  	s31 =	simm.s32 $0x18900;
	v3 =	vadd.s32 v1, v3  }
0x195: {  	[tilespmem:s31], [sflag:$0x2] =	stream.indirect_vreg.gather [hbm4b:s6+s2], $0x80, v4, vm0, $0xb8;
	[tilespmem:$0x1E100] =	vst v63  }
0x196: {  	s5 =	simm.s32 $0x19100  }
0x197: {  	[tilespmem:s5], [sflag:$0x2] =	stream.indirect_vreg.gather [hbm4b:s7+s2], $0x80, v4, vm0, $0xb8;
	[tilespmem:$0x1E100] =	vst v63  }
0x198: {  	s31 =	simm.s32 $0x19900  }
0x199: {  	[tilespmem:s31], [sflag:$0x2] =	stream.indirect_vreg.gather [hbm4b:s4+s2], $0x80, v3, vm0, $0xb8;
	[tilespmem:$0x1E100] =	vst v63  }
0x19a: {  	s5 =	simm.s32 $0x1A100  }
0x19b: {  	[tilespmem:s5], [sflag:$0x2] =	stream.indirect_vreg.gather [hbm4b:s6+s2], $0x80, v3, vm0, $0xb8;
	[tilespmem:$0x1E100] =	vst v63  }
0x19c: {  	s31 =	simm.s32 $0x1A900  }
0x19d: {  	[tilespmem:s31], [sflag:$0x2] =	stream.indirect_vreg.gather [hbm4b:s7+s2], $0x80, v3, vm0, $0xb8;
	[tilespmem:$0x1E100] =	vst v63  }
0x19e: {  	v3 =	vld [tilespmem:$0xC0];
	_ =	sdelay $0x4  }
0x19f: {  	v63 =	vshrl.u32 v3, $0x3  }
0x1a0: {  	v4 =	vmul.u32 $0x30, v63  }
0x1a1: {  	v3 =	vand.u32 $0x7, v3  }
0x1a2: {  	v3 =	vor.u32 v3, v4  }
0x1a3: {  	v4 =	vperm.xlane v3, v0;
	_ =	sdelay $0x1  }
0x1a4: {  	v4 =	vadd.s32 v1, v4;
	_ =	sdelay $0x3  }
0x1a5: {  	s5 =	simm.s32 $0x1B100;
	v3 =	vperm.xlane v3, v2  }
0x1a6: {  	[tilespmem:s5], [sflag:$0x2] =	stream.indirect_vreg.gather [hbm4b:s4+s2], $0x80, v4, vm0, $0xb8;
	[tilespmem:$0x1E100] =	vst v63  }
0x1a7: {  	s31 =	simm.s32 $0x1B900;
	v3 =	vadd.s32 v1, v3  }
0x1a8: {  	[tilespmem:s31], [sflag:$0x2] =	stream.indirect_vreg.gather [hbm4b:s6+s2], $0x80, v4, vm0, $0xb8;
	[tilespmem:$0x1E100] =	vst v63  }
0x1a9: {  	s5 =	simm.s32 $0x1C100  }
0x1aa: {  	[tilespmem:s5], [sflag:$0x2] =	stream.indirect_vreg.gather [hbm4b:s7+s2], $0x80, v4, vm0, $0xb8;
	[tilespmem:$0x1E100] =	vst v63  }
0x1ab: {  	s31 =	simm.s32 $0x1C900  }
0x1ac: {  	[tilespmem:s31], [sflag:$0x2] =	stream.indirect_vreg.gather [hbm4b:s4+s2], $0x80, v3, vm0, $0xb8;
	[tilespmem:$0x1E100] =	vst v63  }
0x1ad: {  	s5 =	simm.s32 $0x1D100  }
0x1ae: {  	[tilespmem:s5], [sflag:$0x2] =	stream.indirect_vreg.gather [hbm4b:s6+s2], $0x80, v3, vm0, $0xb8;
	[tilespmem:$0x1E100] =	vst v63  }
0x1af: {  	s31 =	simm.s32 $0x1D900  }
0x1b0: {  	[tilespmem:s31], [sflag:$0x2] =	stream.indirect_vreg.gather [hbm4b:s7+s2], $0x80, v3, vm0, $0xb8;
	[tilespmem:$0x1E100] =	vst v63  }
0x1b1: {  	_ =	swait.ge [sflag:s3], $0xF000  }
0x1b2: {  	[sflag:s3] =	ssyncset.done $0x0  }
0x1b3: {  	s1 =	simm.s32 $0x100;
	s0 =	rddreg [dreg:$0x8];
	[sflag:s3] =	ssyncadd.s32 $0xFFFF1000  }
0x1b4: {  	[hbm4b:s0+s2] =	stream.linear.scatter [tilespmem:s1], [sflag:$0x3], $0xF000, $0x38;
	[tilespmem:$0x1E100] =	vst v63  }
0x1b5: {  	_ =	swait.ge [sflag:s29], $0xF000  }
0x1b6: {  	[sflag:s29] =	ssyncset.done $0x0  }
0x1b7: {  	s5 =	rddreg [dreg:$0x9];
	[sflag:s29] =	ssyncadd.s32 $0xFFFF1000  }
0x1b8: {  	[hbm4b:s5+s2] =	stream.linear.scatter [tilespmem:s26], [sflag:$0x4], $0xF000, $0x38;
	[tilespmem:$0x1E100] =	vst v63  }
0x1b9: {  	p0 =	sne.s32 s8, $0x1;
	_ =	swait.ge [sflag:s30], $0xF000  }
.Ltmp0:
0x1ba: {  	[sflag:s30] =	ssyncset.done $0x0;
	(pc) =	sbr.rel @p0 .LBB2_1-.Ltmp0, $4  }
0x1bb: {  	[sflag:s30] =	ssyncadd.s32 $0xFFFF1000  }
0x1bc: {  	_ =	swait.ge [sflag:s28], $0xF000  }
0x1bd: {  	[sflag:s28] =	ssyncset.done $0x0  }
0x1be: {  	s8 =	sadd.s32 $0xFFFFFFFF, s8;
	[sflag:s28] =	ssyncadd.s32 $0xFFFF1000  }
0x1bf: {  	_ =	sfence.sel $0x180000  }
0x1c0: {  	[bflag:$0x0] =	sbarrier.arrive $0xFFFF  }
0x1c1: {  	_ =	strace $0x90000047  }
0x1c2: {  	s0 =	stileid.u32;
	[bflag:$0x2] =	sbarrier.arrive $0xFFFF  }
0x1c3: {  	p0 =	sne.s32 s0, $0x0;
	s0 =	rddreg [dreg:$0x3]  }
0x1c4: {  	s0 =	sadd.s32 @!p0 $0x100000, s0  }
0x1c5: {  	[sflag:s0] =	ssyncadd.tile.s32 @!p0 $0x1;
	_ =	shalt  }
.Lfunc_end2:
_tile_overlayer_lowered:
.L_overlay_start_2:
0x1c6: {  	(tag) =	ssettag $0x2  }
0x1c7: {  	s0 =	rddreg [dreg:$0x0];
	s2 =	stileid.u32  }
0x1c8: {  	s1 =	rddreg [dreg:$0x1];
	p0 =	sne.s32 s2, $0x0  }
0x1c9: {  	s3 =	rddreg [dreg:$0x2];
	[bflag:$0x3] =	sbarrier.arrive $0xFFFF;
	s2 =	simm.s32 @!p0 $0x1C05  }
0x1ca: {  	[timem:s3], [sflag:s2] =	dma.local @!p0 [hbm:s0], s1  }
0x1cb: {  	s0 =	simm.s32 @!p0 $0x5  }
0x1cc: {  	_ =	swait.ge @!p0 [sflag:s0], s1  }
0x1cd: {  	s1 =	ssub.s32 @!p0 $0x0, s1;
	[sflag:s0] =	ssyncset.done @!p0 $0x0  }
0x1ce: {  	[sflag:s0] =	ssyncadd.s32 @!p0 s1  }
0x1cf: {  	[bflag:$0x3] =	sbarrier.arrive $0xFFFF  }
0x1d0: {  	_ =	shalt  }

</sc_bundles>
